<compile_context>
chip_gen: v7x
topology: tpu7x:2x2x1
jax: 0.10.2.dev20260603
libtpu: 0.0.44.dev20260713+nightly
codegen_flags: <defaults>
</compile_context>

<pallas_src>
import dataclasses
import functools

import jax
import jax.numpy as jnp
from jax import lax
from jax.experimental import pallas as pl
from jax.experimental.pallas import tpu as pltpu
from jax.experimental.pallas import tpu_sc as plsc

B, S = 64, 512
N = B * S
D = 128
P = 512
EPS = 1e-12
NC, NS = 2, 16
NW = NC * NS
TOK_PER_W = N // NW
W = 128
NWIN = TOK_PER_W // W
NBUF = 2
LANES = 16
NCH = D // LANES
MAGIC = 0x5F3759DF


def _sc_fused(word, pos_ext, ids2, gamma, beta):
    mesh = plsc.VectorSubcoreMesh(core_axis_name="c", subcore_axis_name="s")
    cp = pltpu.CompilerParams()
    if "needs_layout_passes" in pltpu.CompilerParams.__dataclass_fields__:
        cp = dataclasses.replace(cp, needs_layout_passes=False)

    @functools.partial(
        pl.kernel,
        mesh=mesh,
        compiler_params=cp,
        out_type=jax.ShapeDtypeStruct((N, D), jnp.float32),
        scratch_types=[
            pltpu.VMEM((2 * TOK_PER_W,), jnp.int32),
            pltpu.VMEM((D,), jnp.float32),
            pltpu.VMEM((D,), jnp.float32),
            pltpu.VMEM((NBUF, W, D), jnp.float32),
            pltpu.VMEM((NBUF, W, D), jnp.float32),
            pltpu.VMEM((NBUF, W, D), jnp.float32),
            pltpu.VMEM_SHARED((2 * P, D), jnp.float32),
            pltpu.SemaphoreType.DMA,
            pltpu.SemaphoreType.DMA,
            pltpu.SemaphoreType.DMA,
            pltpu.SemaphoreType.DMA,
            pltpu.SemaphoreType.DMA,
            pltpu.SemaphoreType.DMA,
        ],
    )
    def k(word_hbm, pose_hbm, ids_hbm, gam_hbm, bet_hbm, out_hbm,
          idx_v, gam_v, bet_v,
          wrow_v, prow_v, srow_v, pos_spm,
          gw0, gw1, gp0, gp1, os0, os1):
        gsemw = (gw0, gw1)
        gsemp = (gp0, gp1)
        osem = (os0, os1)
        sid = lax.axis_index("s")
        w_id = sid * NC + lax.axis_index("c")
        base = w_id * TOK_PER_W

        rows_per_tile = 2 * P // NS
        stg = pl.ds(sid * rows_per_tile, rows_per_tile)
        pltpu.sync_copy(pose_hbm.at[stg], pos_spm.at[stg])

        pltpu.sync_copy(ids_hbm.at[pl.ds(w_id * 2 * TOK_PER_W,
                                         2 * TOK_PER_W)], idx_v)

        def issue_word(g, b):
            pltpu.async_copy(word_hbm.at[idx_v.at[pl.ds(g * W, W)]],
                             wrow_v.at[b], gsemw[b])

        def issue_pos(g, b):
            pltpu.async_copy(
                pos_spm.at[idx_v.at[pl.ds(TOK_PER_W + g * W, W)]],
                prow_v.at[b], gsemp[b])

        def issue_gathers(g, b):
            issue_word(g, b)
            issue_pos(g, b)

        def wait_gathers(b):
            pltpu.make_async_copy(word_hbm.at[pl.ds(0, W)], wrow_v.at[b],
                                  gsemw[b]).wait()
            pltpu.make_async_copy(word_hbm.at[pl.ds(0, W)], prow_v.at[b],
                                  gsemp[b]).wait()

        def wait_out(b):
            pltpu.make_async_copy(srow_v.at[b], out_hbm.at[pl.ds(base, W)],
                                  osem[b]).wait()

        for b in range(NBUF):
            issue_word(b, b)

        plsc.subcore_barrier()
        for b in range(NBUF):
            issue_pos(b, b)

        pltpu.sync_copy(gam_hbm, gam_v)
        pltpu.sync_copy(bet_hbm, bet_v)
        gc, bc = [], []
        for j in range(NCH):
            cs = pl.ds(j * LANES, LANES)
            gc.append(gam_v.at[cs][...])
            bc.append(bet_v.at[cs][...])

        @pl.loop(0, NWIN, step=NBUF)
        def _ring(g0):
            for b in range(NBUF):
                g = g0 + b
                @pl.when(g0 > 0)
                def _():
                    wait_out(b)

                wait_gathers(b)
                wb = wrow_v.at[b]
                pb = prow_v.at[b]
                sb = srow_v.at[b]

                @plsc.parallel_loop(0, W, unroll=2)
                def _row(r):
                    e = []
                    for j in range(NCH):
                        cs = pl.ds(j * LANES, LANES)
                        e.append(wb.at[r, cs][...] + pb.at[r, cs][...])
                    a0 = (e[0] + e[1]) + (e[2] + e[3])
                    a1 = (e[4] + e[5]) + (e[6] + e[7])
                    s1 = jnp.sum(a0 + a1)
                    q0 = (e[0] * e[0] + e[1] * e[1]) + (e[2] * e[2]
                                                        + e[3] * e[3])
                    q1 = (e[4] * e[4] + e[5] * e[5]) + (e[6] * e[6]
                                                        + e[7] * e[7])
                    s2 = jnp.sum(q0 + q1)
                    mean = s1 * (1.0 / D)
                    var = s2 * (1.0 / D) - mean * mean
                    x = var + EPS
                    xi = lax.bitcast_convert_type(x, jnp.int32)
                    yi = jnp.int32(MAGIC) - lax.shift_right_logical(xi, 1)
                    y = lax.bitcast_convert_type(yi, jnp.float32)
                    y = y * (1.5 - 0.5 * x * y * y)
                    y = y * (1.5 - 0.5 * x * y * y)
                    y = y * (1.5 - 0.5 * x * y * y)
                    mf = jnp.full((LANES,), mean, jnp.float32)
                    yf = jnp.full((LANES,), y, jnp.float32)
                    for j in range(NCH):
                        cs = pl.ds(j * LANES, LANES)
                        sb.at[r, cs][...] = ((e[j] - mf) * yf * gc[j]
                                             + bc[j])

                pltpu.async_copy(sb, out_hbm.at[pl.ds(base + g * W, W)],
                                 osem[b])

                @pl.when(g + NBUF < NWIN)
                def _():
                    issue_gathers(g + NBUF, b)

        for b in range(NBUF):
            wait_out(b)

    return k(word, pos_ext, ids2, gamma, beta)


def kernel(input_ids, position_ids, token_type_ids, word_embeddings,
           position_embeddings, token_type_embeddings, gamma, beta):
    wids = input_ids.reshape(-1).astype(jnp.int32)
    comb = (position_ids.reshape(-1).astype(jnp.int32)
            + P * token_type_ids.reshape(-1).astype(jnp.int32))
    ids2 = jnp.stack([wids.reshape(NW, TOK_PER_W),
                      comb.reshape(NW, TOK_PER_W)], axis=1).reshape(-1)
    pos_ext = jnp.concatenate([
        position_embeddings + token_type_embeddings[0],
        position_embeddings + token_type_embeddings[1],
    ])
    out = _sc_fused(word_embeddings, pos_ext, ids2, gamma, beta)
    return out.reshape(B, S, D)

# --- scband reference (transcript-rebuilt; emitter-appended) ---
"""Pipeline reference for scband-tfalbert-embeddings-14491219656824 (READ-ONLY COPY).

The authoritative reference and input builder live on the scoring server;
editing this copy changes nothing except your own understanding.
"""

import jax, jax.numpy as jnp
import numpy as np

B, S = 64, 512
V, D, P, T = 30000, 128, 512, 2
EPS = 1e-12

def setup_inputs(seed: int = 0) -> dict:
    key = jax.random.key(seed)
    ks = jax.random.split(key, 8)
    input_ids = jax.random.randint(ks[0], (B, S), 0, V)
    position_ids = jax.random.randint(ks[1], (B, S), 0, P)
    token_type_ids = jax.random.randint(ks[2], (B, S), 0, T)
    word_embeddings = jax.random.normal(ks[3], (V, D), dtype=jnp.float32) * 0.02
    position_embeddings = jax.random.normal(ks[4], (P, D), dtype=jnp.float32) * 0.02
    token_type_embeddings = jax.random.normal(ks[5], (T, D), dtype=jnp.float32) * 0.02
    gamma = jnp.ones((D,), dtype=jnp.float32)
    beta = jnp.zeros((D,), dtype=jnp.float32)
    return {"input_ids": input_ids, "position_ids": position_ids, "token_type_ids": token_type_ids,
            "word_embeddings": word_embeddings, "position_embeddings": position_embeddings,
            "token_type_embeddings": token_type_embeddings, "gamma": gamma, "beta": beta}

def reference(input_ids, position_ids, token_type_ids, word_embeddings,
              position_embeddings, token_type_embeddings, gamma, beta):
    # embedding lookups (gather)
    inputs_embeds = jnp.take(word_embeddings, input_ids, axis=0)
    pos_embeds = jnp.take(position_embeddings, position_ids, axis=0)
    tok_embeds = jnp.take(token_type_embeddings, token_type_ids, axis=0)
    embeddings = inputs_embeds + pos_embeds + tok_embeds
    # LayerNorm over last axis (epsilon = 1e-12, matching ALBERT config)
    mean = jnp.mean(embeddings, axis=-1, keepdims=True)
    var = jnp.mean(jnp.square(embeddings - mean), axis=-1, keepdims=True)
    normed = (embeddings - mean) * jax.lax.rsqrt(var + EPS)
    out = normed * gamma + beta
    # dropout is identity at training=False
    return out

if __name__ == "__main__":
    import jax
    _d = setup_inputs()
    print(jax.jit(kernel)(*tuple(_d.values())))

</pallas_src>

<mosaic_0001>
#map = affine_map<(d0, d1) -> (0, 0)>
#map1 = affine_map<(d0, d1) -> (0)>
module attributes {stable_mosaic.version = 14 : i64} {
  func.func @k(%arg0: i32, %arg1: i32, %arg2: memref<30000x128xf32, #tpu.memory_space<hbm>>, %arg3: memref<1024x128xf32, #tpu.memory_space<hbm>>, %arg4: memref<65536xi32, #tpu.memory_space<hbm>>, %arg5: memref<128xf32, #tpu.memory_space<hbm>>, %arg6: memref<128xf32, #tpu.memory_space<hbm>>, %arg7: memref<32768x128xf32, #tpu.memory_space<hbm>>, %arg8: memref<2048xi32, #tpu.memory_space<vmem>>, %arg9: memref<128xf32, #tpu.memory_space<vmem>>, %arg10: memref<128xf32, #tpu.memory_space<vmem>>, %arg11: memref<2x128x128xf32, #tpu.memory_space<vmem>>, %arg12: memref<2x128x128xf32, #tpu.memory_space<vmem>>, %arg13: memref<2x128x128xf32, #tpu.memory_space<vmem>>, %arg14: memref<1024x128xf32, #tpu.memory_space<vmem_shared>>, %arg15: memref<!tpu.dma_semaphore, #tpu.memory_space<semaphore_mem>>, %arg16: memref<!tpu.dma_semaphore, #tpu.memory_space<semaphore_mem>>, %arg17: memref<!tpu.dma_semaphore, #tpu.memory_space<semaphore_mem>>, %arg18: memref<!tpu.dma_semaphore, #tpu.memory_space<semaphore_mem>>, %arg19: memref<!tpu.dma_semaphore, #tpu.memory_space<semaphore_mem>>, %arg20: memref<!tpu.dma_semaphore, #tpu.memory_space<semaphore_mem>>) attributes {dimension_semantics = [#tpu.dimension_semantics<core_parallel>, #tpu.dimension_semantics<subcore_parallel>], iteration_bounds = array<i64: 2, 16>, scalar_prefetch = 0 : i64, scratch_operands = 13 : i64, tpu.core_type = #tpu.core_type<sc_vector_subcore>, window_params = [{transform_indices = #map}, {transform_indices = #map}, {transform_indices = #map1}, {transform_indices = #map1}, {transform_indices = #map1}, {transform_indices = #map}]} {
    %mul3A = arith.constant 2 : i32
    %mul3A_0 = arith.muli %arg1, %mul3A : i32
    %add3A = arith.addi %mul3A_0, %arg0 : i32
    %mul3A_1 = arith.constant 1024 : i32
    %mul3A_2 = arith.muli %add3A, %mul3A_1 : i32
    %mul3A_3 = arith.constant 64 : i32
    %mul3A_4 = arith.muli %arg1, %mul3A_3 : i32
    "tpu.region"() ({
      %run_scoped3A = tpu.sem_alloc : memref<!tpu.dma_semaphore, #tpu.memory_space<semaphore_mem>>
      %dma_start3A_108 = arith.constant 0 : i32
      %dma_start3A_109 = tpu.memref_slice %arg14[%mul3A_4, %dma_start3A_108] : memref<1024x128xf32, #tpu.memory_space<vmem_shared>> -> memref<64x128xf32, #tpu.memory_space<vmem_shared>>
      %dma_start3A_110 = arith.constant 0 : i32
      %dma_start3A_111 = tpu.memref_slice %arg3[%mul3A_4, %dma_start3A_110] : memref<1024x128xf32, #tpu.memory_space<hbm>> -> memref<64x128xf32, #tpu.memory_space<hbm>>
      tpu.enqueue_dma source(%dma_start3A_111 : memref<64x128xf32, #tpu.memory_space<hbm>>) target(%dma_start3A_109 : memref<64x128xf32, #tpu.memory_space<vmem_shared>>) target_semaphore(%run_scoped3A : memref<!tpu.dma_semaphore, #tpu.memory_space<semaphore_mem>>)
      %dma_wait3A_112 = arith.constant 0 : i32
      %dma_wait3A_113 = tpu.memref_slice %arg14[%mul3A_4, %dma_wait3A_112] : memref<1024x128xf32, #tpu.memory_space<vmem_shared>> -> memref<64x128xf32, #tpu.memory_space<vmem_shared>>
      %dma_wait3A_114 = arith.constant 0 : i32
      %dma_wait3A_115 = tpu.memref_slice %arg3[%mul3A_4, %dma_wait3A_114] : memref<1024x128xf32, #tpu.memory_space<hbm>> -> memref<64x128xf32, #tpu.memory_space<hbm>>
      tpu.wait_dma2 semaphore(%run_scoped3A : memref<!tpu.dma_semaphore, #tpu.memory_space<semaphore_mem>>) src(%dma_wait3A_115 : memref<64x128xf32, #tpu.memory_space<hbm>>) dst(%dma_wait3A_113 : memref<64x128xf32, #tpu.memory_space<vmem_shared>>)
      tpu.yield
    }) : () -> ()
    %mul3A_5 = arith.constant 2 : i32
    %mul3A_6 = arith.muli %add3A, %mul3A_5 : i32
    %mul3A_7 = arith.constant 1024 : i32
    %mul3A_8 = arith.muli %mul3A_6, %mul3A_7 : i32
    "tpu.region"() ({
      %run_scoped3A = tpu.sem_alloc : memref<!tpu.dma_semaphore, #tpu.memory_space<semaphore_mem>>
      %dma_start3A_108 = tpu.memref_slice %arg4[%mul3A_8] : memref<65536xi32, #tpu.memory_space<hbm>> -> memref<2048xi32, #tpu.memory_space<hbm>>
      %dma_start3A_109 = tpu.memref_slice %arg4[%mul3A_8] : memref<65536xi32, #tpu.memory_space<hbm>> -> memref<2048xi32, #tpu.memory_space<hbm>>
      tpu.enqueue_dma source(%dma_start3A_109 : memref<2048xi32, #tpu.memory_space<hbm>>) target(%arg8 : memref<2048xi32, #tpu.memory_space<vmem>>) target_semaphore(%run_scoped3A : memref<!tpu.dma_semaphore, #tpu.memory_space<semaphore_mem>>)
      %dma_wait3A_110 = tpu.memref_slice %arg4[%mul3A_8] : memref<65536xi32, #tpu.memory_space<hbm>> -> memref<2048xi32, #tpu.memory_space<hbm>>
      %dma_wait3A_111 = tpu.memref_slice %arg4[%mul3A_8] : memref<65536xi32, #tpu.memory_space<hbm>> -> memref<2048xi32, #tpu.memory_space<hbm>>
      tpu.wait_dma2 semaphore(%run_scoped3A : memref<!tpu.dma_semaphore, #tpu.memory_space<semaphore_mem>>) src(%dma_wait3A_111 : memref<2048xi32, #tpu.memory_space<hbm>>) dst(%arg8 : memref<2048xi32, #tpu.memory_space<vmem>>)
      tpu.yield
    }) : () -> ()
    %dma_start3A = arith.constant 0 : i32
    %dma_start3A_9 = arith.constant 0 : i32
    %dma_start3A_10 = arith.constant 0 : i32
    %dma_start3A_11 = tpu.memref_slice %arg11[%dma_start3A, %dma_start3A_9, %dma_start3A_10] : memref<2x128x128xf32, #tpu.memory_space<vmem>> -> memref<1x128x128xf32, #tpu.memory_space<vmem>>
    %dma_start3A_12 = tpu.memref_squeeze %dma_start3A_11 : memref<1x128x128xf32, #tpu.memory_space<vmem>> -> memref<128x128xf32, #tpu.memory_space<vmem>>
    %dma_start3A_13 = arith.constant 0 : i32
    %dma_start3A_14 = tpu.memref_slice %arg8[%dma_start3A_13] : memref<2048xi32, #tpu.memory_space<vmem>> -> memref<128xi32, #tpu.memory_space<vmem>>
    %dma_start3A_15 = arith.constant 0 : i32
    %dma_start3A_16 = arith.constant 0 : i32
    %dma_start3A_17 = tpu.memref_slice %arg2[%dma_start3A_15, %dma_start3A_16] : memref<30000x128xf32, #tpu.memory_space<hbm>> -> memref<30000x128xf32, #tpu.memory_space<hbm>>
    tpu.enqueue_indirect_dma source(%dma_start3A_17 : memref<30000x128xf32, #tpu.memory_space<hbm>>) target(%dma_start3A_12 : memref<128x128xf32, #tpu.memory_space<vmem>>) offsets(%dma_start3A_14 : memref<128xi32, #tpu.memory_space<vmem>>) semaphore(%arg15 : memref<!tpu.dma_semaphore, #tpu.memory_space<semaphore_mem>>)
    %dma_start3A_18 = arith.constant 1 : i32
    %dma_start3A_19 = arith.constant 0 : i32
    %dma_start3A_20 = arith.constant 0 : i32
    %dma_start3A_21 = tpu.memref_slice %arg11[%dma_start3A_18, %dma_start3A_19, %dma_start3A_20] : memref<2x128x128xf32, #tpu.memory_space<vmem>> -> memref<1x128x128xf32, #tpu.memory_space<vmem>>
    %dma_start3A_22 = tpu.memref_squeeze %dma_start3A_21 : memref<1x128x128xf32, #tpu.memory_space<vmem>> -> memref<128x128xf32, #tpu.memory_space<vmem>>
    %dma_start3A_23 = arith.constant 128 : i32
    %dma_start3A_24 = tpu.memref_slice %arg8[%dma_start3A_23] : memref<2048xi32, #tpu.memory_space<vmem>> -> memref<128xi32, #tpu.memory_space<vmem>>
    %dma_start3A_25 = arith.constant 0 : i32
    %dma_start3A_26 = arith.constant 0 : i32
    %dma_start3A_27 = tpu.memref_slice %arg2[%dma_start3A_25, %dma_start3A_26] : memref<30000x128xf32, #tpu.memory_space<hbm>> -> memref<30000x128xf32, #tpu.memory_space<hbm>>
    tpu.enqueue_indirect_dma source(%dma_start3A_27 : memref<30000x128xf32, #tpu.memory_space<hbm>>) target(%dma_start3A_22 : memref<128x128xf32, #tpu.memory_space<vmem>>) offsets(%dma_start3A_24 : memref<128xi32, #tpu.memory_space<vmem>>) semaphore(%arg16 : memref<!tpu.dma_semaphore, #tpu.memory_space<semaphore_mem>>)
    %barrier3A = arith.constant 0 : index
    tpu.barrier barrier_id(%barrier3A)
    %dma_start3A_28 = arith.constant 0 : i32
    %dma_start3A_29 = arith.constant 0 : i32
    %dma_start3A_30 = arith.constant 0 : i32
    %dma_start3A_31 = tpu.memref_slice %arg12[%dma_start3A_28, %dma_start3A_29, %dma_start3A_30] : memref<2x128x128xf32, #tpu.memory_space<vmem>> -> memref<1x128x128xf32, #tpu.memory_space<vmem>>
    %dma_start3A_32 = tpu.memref_squeeze %dma_start3A_31 : memref<1x128x128xf32, #tpu.memory_space<vmem>> -> memref<128x128xf32, #tpu.memory_space<vmem>>
    %dma_start3A_33 = arith.constant 1024 : i32
    %dma_start3A_34 = tpu.memref_slice %arg8[%dma_start3A_33] : memref<2048xi32, #tpu.memory_space<vmem>> -> memref<128xi32, #tpu.memory_space<vmem>>
    %dma_start3A_35 = arith.constant 0 : i32
    %dma_start3A_36 = arith.constant 0 : i32
    %dma_start3A_37 = tpu.memref_slice %arg14[%dma_start3A_35, %dma_start3A_36] : memref<1024x128xf32, #tpu.memory_space<vmem_shared>> -> memref<1024x128xf32, #tpu.memory_space<vmem_shared>>
    tpu.enqueue_indirect_dma source(%dma_start3A_37 : memref<1024x128xf32, #tpu.memory_space<vmem_shared>>) target(%dma_start3A_32 : memref<128x128xf32, #tpu.memory_space<vmem>>) offsets(%dma_start3A_34 : memref<128xi32, #tpu.memory_space<vmem>>) semaphore(%arg17 : memref<!tpu.dma_semaphore, #tpu.memory_space<semaphore_mem>>)
    %dma_start3A_38 = arith.constant 1 : i32
    %dma_start3A_39 = arith.constant 0 : i32
    %dma_start3A_40 = arith.constant 0 : i32
    %dma_start3A_41 = tpu.memref_slice %arg12[%dma_start3A_38, %dma_start3A_39, %dma_start3A_40] : memref<2x128x128xf32, #tpu.memory_space<vmem>> -> memref<1x128x128xf32, #tpu.memory_space<vmem>>
    %dma_start3A_42 = tpu.memref_squeeze %dma_start3A_41 : memref<1x128x128xf32, #tpu.memory_space<vmem>> -> memref<128x128xf32, #tpu.memory_space<vmem>>
    %dma_start3A_43 = arith.constant 1152 : i32
    %dma_start3A_44 = tpu.memref_slice %arg8[%dma_start3A_43] : memref<2048xi32, #tpu.memory_space<vmem>> -> memref<128xi32, #tpu.memory_space<vmem>>
    %dma_start3A_45 = arith.constant 0 : i32
    %dma_start3A_46 = arith.constant 0 : i32
    %dma_start3A_47 = tpu.memref_slice %arg14[%dma_start3A_45, %dma_start3A_46] : memref<1024x128xf32, #tpu.memory_space<vmem_shared>> -> memref<1024x128xf32, #tpu.memory_space<vmem_shared>>
    tpu.enqueue_indirect_dma source(%dma_start3A_47 : memref<1024x128xf32, #tpu.memory_space<vmem_shared>>) target(%dma_start3A_42 : memref<128x128xf32, #tpu.memory_space<vmem>>) offsets(%dma_start3A_44 : memref<128xi32, #tpu.memory_space<vmem>>) semaphore(%arg18 : memref<!tpu.dma_semaphore, #tpu.memory_space<semaphore_mem>>)
    "tpu.region"() ({
      %run_scoped3A = tpu.sem_alloc : memref<!tpu.dma_semaphore, #tpu.memory_space<semaphore_mem>>
      tpu.enqueue_dma source(%arg5 : memref<128xf32, #tpu.memory_space<hbm>>) target(%arg9 : memref<128xf32, #tpu.memory_space<vmem>>) target_semaphore(%run_scoped3A : memref<!tpu.dma_semaphore, #tpu.memory_space<semaphore_mem>>)
      tpu.wait_dma2 semaphore(%run_scoped3A : memref<!tpu.dma_semaphore, #tpu.memory_space<semaphore_mem>>) src(%arg5 : memref<128xf32, #tpu.memory_space<hbm>>) dst(%arg9 : memref<128xf32, #tpu.memory_space<vmem>>)
      tpu.yield
    }) : () -> ()
    "tpu.region"() ({
      %run_scoped3A = tpu.sem_alloc : memref<!tpu.dma_semaphore, #tpu.memory_space<semaphore_mem>>
      tpu.enqueue_dma source(%arg6 : memref<128xf32, #tpu.memory_space<hbm>>) target(%arg10 : memref<128xf32, #tpu.memory_space<vmem>>) target_semaphore(%run_scoped3A : memref<!tpu.dma_semaphore, #tpu.memory_space<semaphore_mem>>)
      tpu.wait_dma2 semaphore(%run_scoped3A : memref<!tpu.dma_semaphore, #tpu.memory_space<semaphore_mem>>) src(%arg6 : memref<128xf32, #tpu.memory_space<hbm>>) dst(%arg10 : memref<128xf32, #tpu.memory_space<vmem>>)
      tpu.yield
    }) : () -> ()
    %get3A = arith.constant 0 : index
    %get3A_48 = tpu.vector_load %arg9[%get3A] {strides = array<i32>} : memref<128xf32, #tpu.memory_space<vmem>>, vector<16xf32>,
    %get3A_49 = arith.constant 0 : index
    %get3A_50 = tpu.vector_load %arg10[%get3A_49] {strides = array<i32>} : memref<128xf32, #tpu.memory_space<vmem>>, vector<16xf32>,
    %get3A_51 = arith.constant 16 : index
    %get3A_52 = tpu.vector_load %arg9[%get3A_51] {strides = array<i32>} : memref<128xf32, #tpu.memory_space<vmem>>, vector<16xf32>,
    %get3A_53 = arith.constant 16 : index
    %get3A_54 = tpu.vector_load %arg10[%get3A_53] {strides = array<i32>} : memref<128xf32, #tpu.memory_space<vmem>>, vector<16xf32>,
    %get3A_55 = arith.constant 32 : index
    %get3A_56 = tpu.vector_load %arg9[%get3A_55] {strides = array<i32>} : memref<128xf32, #tpu.memory_space<vmem>>, vector<16xf32>,
    %get3A_57 = arith.constant 32 : index
    %get3A_58 = tpu.vector_load %arg10[%get3A_57] {strides = array<i32>} : memref<128xf32, #tpu.memory_space<vmem>>, vector<16xf32>,
    %get3A_59 = arith.constant 48 : index
    %get3A_60 = tpu.vector_load %arg9[%get3A_59] {strides = array<i32>} : memref<128xf32, #tpu.memory_space<vmem>>, vector<16xf32>,
    %get3A_61 = arith.constant 48 : index
    %get3A_62 = tpu.vector_load %arg10[%get3A_61] {strides = array<i32>} : memref<128xf32, #tpu.memory_space<vmem>>, vector<16xf32>,
    %get3A_63 = arith.constant 64 : index
    %get3A_64 = tpu.vector_load %arg9[%get3A_63] {strides = array<i32>} : memref<128xf32, #tpu.memory_space<vmem>>, vector<16xf32>,
    %get3A_65 = arith.constant 64 : index
    %get3A_66 = tpu.vector_load %arg10[%get3A_65] {strides = array<i32>} : memref<128xf32, #tpu.memory_space<vmem>>, vector<16xf32>,
    %get3A_67 = arith.constant 80 : index
    %get3A_68 = tpu.vector_load %arg9[%get3A_67] {strides = array<i32>} : memref<128xf32, #tpu.memory_space<vmem>>, vector<16xf32>,
    %get3A_69 = arith.constant 80 : index
    %get3A_70 = tpu.vector_load %arg10[%get3A_69] {strides = array<i32>} : memref<128xf32, #tpu.memory_space<vmem>>, vector<16xf32>,
    %get3A_71 = arith.constant 96 : index
    %get3A_72 = tpu.vector_load %arg9[%get3A_71] {strides = array<i32>} : memref<128xf32, #tpu.memory_space<vmem>>, vector<16xf32>,
    %get3A_73 = arith.constant 96 : index
    %get3A_74 = tpu.vector_load %arg10[%get3A_73] {strides = array<i32>} : memref<128xf32, #tpu.memory_space<vmem>>, vector<16xf32>,
    %get3A_75 = arith.constant 112 : index
    %get3A_76 = tpu.vector_load %arg9[%get3A_75] {strides = array<i32>} : memref<128xf32, #tpu.memory_space<vmem>>, vector<16xf32>,
    %get3A_77 = arith.constant 112 : index
    %get3A_78 = tpu.vector_load %arg10[%get3A_77] {strides = array<i32>} : memref<128xf32, #tpu.memory_space<vmem>>, vector<16xf32>,
    %scan3A = arith.constant 0 : i32
    %scan3A_79 = arith.constant 4 : i32
    %scan3A_80 = arith.addi %scan3A, %scan3A_79 : i32
    %scan3A_81 = arith.constant 1 : i32
    scf.for %scan3A_108 = %scan3A to %scan3A_80 step %scan3A_81  : i32 {
      %mul3A_109 = arith.constant 2 : i32
      %mul3A_110 = arith.muli %scan3A_108, %mul3A_109 : i32
      %add3A_111 = arith.constant 0 : i32
      %add3A_112 = arith.addi %add3A_111, %mul3A_110 : i32
      %add3A_113 = arith.constant 0 : i32
      %add3A_114 = arith.addi %add3A_112, %add3A_113 : i32
      %gt3A = arith.constant 0 : i32
      %gt3A_115 = arith.cmpi sgt, %add3A_112, %gt3A : i32
      %convert_element_type3A = arith.extui %gt3A_115 : i1 to i32
      %cond3A = arith.constant 0 : i32
      %cond3A_116 = arith.cmpi ne, %convert_element_type3A, %cond3A : i32
      scf.if %cond3A_116 {
        %dma_wait3A_240 = arith.constant 0 : i32
        %dma_wait3A_241 = arith.constant 0 : i32
        %dma_wait3A_242 = arith.constant 0 : i32
        %dma_wait3A_243 = tpu.memref_slice %arg13[%dma_wait3A_240, %dma_wait3A_241, %dma_wait3A_242] : memref<2x128x128xf32, #tpu.memory_space<vmem>> -> memref<1x128x128xf32, #tpu.memory_space<vmem>>
        %dma_wait3A_244 = tpu.memref_squeeze %dma_wait3A_243 : memref<1x128x128xf32, #tpu.memory_space<vmem>> -> memref<128x128xf32, #tpu.memory_space<vmem>>
        %dma_wait3A_245 = arith.constant 0 : i32
        %dma_wait3A_246 = tpu.memref_slice %arg7[%mul3A_2, %dma_wait3A_245] : memref<32768x128xf32, #tpu.memory_space<hbm>> -> memref<128x128xf32, #tpu.memory_space<hbm>>
        %dma_wait3A_247 = arith.constant 0 : i32
        %dma_wait3A_248 = tpu.memref_slice %arg7[%mul3A_2, %dma_wait3A_247] : memref<32768x128xf32, #tpu.memory_space<hbm>> -> memref<128x128xf32, #tpu.memory_space<hbm>>
        %dma_wait3A_249 = arith.constant 0 : i32
        %dma_wait3A_250 = arith.constant 0 : i32
        %dma_wait3A_251 = tpu.memref_slice %arg13[%dma_wait3A_240, %dma_wait3A_249, %dma_wait3A_250] : memref<2x128x128xf32, #tpu.memory_space<vmem>> -> memref<1x128x128xf32, #tpu.memory_space<vmem>>
        %dma_wait3A_252 = tpu.memref_squeeze %dma_wait3A_251 : memref<1x128x128xf32, #tpu.memory_space<vmem>> -> memref<128x128xf32, #tpu.memory_space<vmem>>
        tpu.wait_dma2 semaphore(%arg19 : memref<!tpu.dma_semaphore, #tpu.memory_space<semaphore_mem>>) src(%dma_wait3A_252 : memref<128x128xf32, #tpu.memory_space<vmem>>) dst(%dma_wait3A_248 : memref<128x128xf32, #tpu.memory_space<hbm>>)
      } else {
      }
      %dma_wait3A_117 = arith.constant 0 : i32
      %dma_wait3A_118 = arith.constant 0 : i32
      %dma_wait3A_119 = arith.constant 0 : i32
      %dma_wait3A_120 = tpu.memref_slice %arg11[%dma_wait3A_117, %dma_wait3A_118, %dma_wait3A_119] : memref<2x128x128xf32, #tpu.memory_space<vmem>> -> memref<1x128x128xf32, #tpu.memory_space<vmem>>
      %dma_wait3A_121 = tpu.memref_squeeze %dma_wait3A_120 : memref<1x128x128xf32, #tpu.memory_space<vmem>> -> memref<128x128xf32, #tpu.memory_space<vmem>>
      %dma_wait3A_122 = arith.constant 0 : i32
      %dma_wait3A_123 = arith.constant 0 : i32
      %dma_wait3A_124 = tpu.memref_slice %arg2[%dma_wait3A_122, %dma_wait3A_123] : memref<30000x128xf32, #tpu.memory_space<hbm>> -> memref<128x128xf32, #tpu.memory_space<hbm>>
      %dma_wait3A_125 = arith.constant 0 : i32
      %dma_wait3A_126 = arith.constant 0 : i32
      %dma_wait3A_127 = tpu.memref_slice %arg11[%dma_wait3A_117, %dma_wait3A_125, %dma_wait3A_126] : memref<2x128x128xf32, #tpu.memory_space<vmem>> -> memref<1x128x128xf32, #tpu.memory_space<vmem>>
      %dma_wait3A_128 = tpu.memref_squeeze %dma_wait3A_127 : memref<1x128x128xf32, #tpu.memory_space<vmem>> -> memref<128x128xf32, #tpu.memory_space<vmem>>
      %dma_wait3A_129 = arith.constant 0 : i32
      %dma_wait3A_130 = arith.constant 0 : i32
      %dma_wait3A_131 = tpu.memref_slice %arg2[%dma_wait3A_129, %dma_wait3A_130] : memref<30000x128xf32, #tpu.memory_space<hbm>> -> memref<128x128xf32, #tpu.memory_space<hbm>>
      tpu.wait_dma2 semaphore(%arg15 : memref<!tpu.dma_semaphore, #tpu.memory_space<semaphore_mem>>) src(%dma_wait3A_131 : memref<128x128xf32, #tpu.memory_space<hbm>>) dst(%dma_wait3A_128 : memref<128x128xf32, #tpu.memory_space<vmem>>)
      %dma_wait3A_132 = arith.constant 0 : i32
      %dma_wait3A_133 = arith.constant 0 : i32
      %dma_wait3A_134 = arith.constant 0 : i32
      %dma_wait3A_135 = tpu.memref_slice %arg12[%dma_wait3A_132, %dma_wait3A_133, %dma_wait3A_134] : memref<2x128x128xf32, #tpu.memory_space<vmem>> -> memref<1x128x128xf32, #tpu.memory_space<vmem>>
      %dma_wait3A_136 = tpu.memref_squeeze %dma_wait3A_135 : memref<1x128x128xf32, #tpu.memory_space<vmem>> -> memref<128x128xf32, #tpu.memory_space<vmem>>
      %dma_wait3A_137 = arith.constant 0 : i32
      %dma_wait3A_138 = arith.constant 0 : i32
      %dma_wait3A_139 = tpu.memref_slice %arg2[%dma_wait3A_137, %dma_wait3A_138] : memref<30000x128xf32, #tpu.memory_space<hbm>> -> memref<128x128xf32, #tpu.memory_space<hbm>>
      %dma_wait3A_140 = arith.constant 0 : i32
      %dma_wait3A_141 = arith.constant 0 : i32
      %dma_wait3A_142 = tpu.memref_slice %arg12[%dma_wait3A_132, %dma_wait3A_140, %dma_wait3A_141] : memref<2x128x128xf32, #tpu.memory_space<vmem>> -> memref<1x128x128xf32, #tpu.memory_space<vmem>>
      %dma_wait3A_143 = tpu.memref_squeeze %dma_wait3A_142 : memref<1x128x128xf32, #tpu.memory_space<vmem>> -> memref<128x128xf32, #tpu.memory_space<vmem>>
      %dma_wait3A_144 = arith.constant 0 : i32
      %dma_wait3A_145 = arith.constant 0 : i32
      %dma_wait3A_146 = tpu.memref_slice %arg2[%dma_wait3A_144, %dma_wait3A_145] : memref<30000x128xf32, #tpu.memory_space<hbm>> -> memref<128x128xf32, #tpu.memory_space<hbm>>
      tpu.wait_dma2 semaphore(%arg17 : memref<!tpu.dma_semaphore, #tpu.memory_space<semaphore_mem>>) src(%dma_wait3A_146 : memref<128x128xf32, #tpu.memory_space<hbm>>) dst(%dma_wait3A_143 : memref<128x128xf32, #tpu.memory_space<vmem>>)
      %parallel_loop3A = arith.constant 0 : i32
      %parallel_loop3A_147 = arith.constant 128 : i32
      %parallel_loop3A_148 = arith.constant 1 : i32
      %parallel_loop3A_149 = arith.constant 0 : i32
      %parallel_loop3A_150 = arith.constant 0 : i32
      %parallel_loop3A_151 = arith.constant 0 : i32
      scf.for %parallel_loop3A_240 = %parallel_loop3A to %parallel_loop3A_147 step %parallel_loop3A_148  : i32 {
        %parallel_loop3A_241 = arith.constant 0 : i32
        %parallel_loop3A_242 = arith.constant 0 : i32
        %parallel_loop3A_243 = tpu.memref_slice %arg11[%parallel_loop3A_149, %parallel_loop3A_241, %parallel_loop3A_242] : memref<2x128x128xf32, #tpu.memory_space<vmem>> -> memref<1x128x128xf32, #tpu.memory_space<vmem>>
        %parallel_loop3A_244 = tpu.memref_squeeze %parallel_loop3A_243 : memref<1x128x128xf32, #tpu.memory_space<vmem>> -> memref<128x128xf32, #tpu.memory_space<vmem>>
        %parallel_loop3A_245 = arith.index_cast %parallel_loop3A_240 : i32 to index
        %parallel_loop3A_246 = arith.constant 0 : index
        %parallel_loop3A_247 = tpu.vector_load %parallel_loop3A_244[%parallel_loop3A_245, %parallel_loop3A_246] {strides = array<i32>} : memref<128x128xf32, #tpu.memory_space<vmem>>, vector<16xf32>,
        %parallel_loop3A_248 = arith.constant 0 : i32
        %parallel_loop3A_249 = arith.constant 0 : i32
        %parallel_loop3A_250 = tpu.memref_slice %arg12[%parallel_loop3A_150, %parallel_loop3A_248, %parallel_loop3A_249] : memref<2x128x128xf32, #tpu.memory_space<vmem>> -> memref<1x128x128xf32, #tpu.memory_space<vmem>>
        %parallel_loop3A_251 = tpu.memref_squeeze %parallel_loop3A_250 : memref<1x128x128xf32, #tpu.memory_space<vmem>> -> memref<128x128xf32, #tpu.memory_space<vmem>>
        %parallel_loop3A_252 = arith.index_cast %parallel_loop3A_240 : i32 to index
        %parallel_loop3A_253 = arith.constant 0 : index
        %parallel_loop3A_254 = tpu.vector_load %parallel_loop3A_251[%parallel_loop3A_252, %parallel_loop3A_253] {strides = array<i32>} : memref<128x128xf32, #tpu.memory_space<vmem>>, vector<16xf32>,
        %parallel_loop3A_255 = arith.addf %parallel_loop3A_247, %parallel_loop3A_254 : vector<16xf32>
        %parallel_loop3A_256 = arith.constant 0 : i32
        %parallel_loop3A_257 = arith.constant 0 : i32
        %parallel_loop3A_258 = tpu.memref_slice %arg11[%parallel_loop3A_149, %parallel_loop3A_256, %parallel_loop3A_257] : memref<2x128x128xf32, #tpu.memory_space<vmem>> -> memref<1x128x128xf32, #tpu.memory_space<vmem>>
        %parallel_loop3A_259 = tpu.memref_squeeze %parallel_loop3A_258 : memref<1x128x128xf32, #tpu.memory_space<vmem>> -> memref<128x128xf32, #tpu.memory_space<vmem>>
        %parallel_loop3A_260 = arith.index_cast %parallel_loop3A_240 : i32 to index
        %parallel_loop3A_261 = arith.constant 16 : index
        %parallel_loop3A_262 = tpu.vector_load %parallel_loop3A_259[%parallel_loop3A_260, %parallel_loop3A_261] {strides = array<i32>} : memref<128x128xf32, #tpu.memory_space<vmem>>, vector<16xf32>,
        %parallel_loop3A_263 = arith.constant 0 : i32
        %parallel_loop3A_264 = arith.constant 0 : i32
        %parallel_loop3A_265 = tpu.memref_slice %arg12[%parallel_loop3A_150, %parallel_loop3A_263, %parallel_loop3A_264] : memref<2x128x128xf32, #tpu.memory_space<vmem>> -> memref<1x128x128xf32, #tpu.memory_space<vmem>>
        %parallel_loop3A_266 = tpu.memref_squeeze %parallel_loop3A_265 : memref<1x128x128xf32, #tpu.memory_space<vmem>> -> memref<128x128xf32, #tpu.memory_space<vmem>>
        %parallel_loop3A_267 = arith.index_cast %parallel_loop3A_240 : i32 to index
        %parallel_loop3A_268 = arith.constant 16 : index
        %parallel_loop3A_269 = tpu.vector_load %parallel_loop3A_266[%parallel_loop3A_267, %parallel_loop3A_268] {strides = array<i32>} : memref<128x128xf32, #tpu.memory_space<vmem>>, vector<16xf32>,
        %parallel_loop3A_270 = arith.addf %parallel_loop3A_262, %parallel_loop3A_269 : vector<16xf32>
        %parallel_loop3A_271 = arith.constant 0 : i32
        %parallel_loop3A_272 = arith.constant 0 : i32
        %parallel_loop3A_273 = tpu.memref_slice %arg11[%parallel_loop3A_149, %parallel_loop3A_271, %parallel_loop3A_272] : memref<2x128x128xf32, #tpu.memory_space<vmem>> -> memref<1x128x128xf32, #tpu.memory_space<vmem>>
        %parallel_loop3A_274 = tpu.memref_squeeze %parallel_loop3A_273 : memref<1x128x128xf32, #tpu.memory_space<vmem>> -> memref<128x128xf32, #tpu.memory_space<vmem>>
        %parallel_loop3A_275 = arith.index_cast %parallel_loop3A_240 : i32 to index
        %parallel_loop3A_276 = arith.constant 32 : index
        %parallel_loop3A_277 = tpu.vector_load %parallel_loop3A_274[%parallel_loop3A_275, %parallel_loop3A_276] {strides = array<i32>} : memref<128x128xf32, #tpu.memory_space<vmem>>, vector<16xf32>,
        %parallel_loop3A_278 = arith.constant 0 : i32
        %parallel_loop3A_279 = arith.constant 0 : i32
        %parallel_loop3A_280 = tpu.memref_slice %arg12[%parallel_loop3A_150, %parallel_loop3A_278, %parallel_loop3A_279] : memref<2x128x128xf32, #tpu.memory_space<vmem>> -> memref<1x128x128xf32, #tpu.memory_space<vmem>>
        %parallel_loop3A_281 = tpu.memref_squeeze %parallel_loop3A_280 : memref<1x128x128xf32, #tpu.memory_space<vmem>> -> memref<128x128xf32, #tpu.memory_space<vmem>>
        %parallel_loop3A_282 = arith.index_cast %parallel_loop3A_240 : i32 to index
        %parallel_loop3A_283 = arith.constant 32 : index
        %parallel_loop3A_284 = tpu.vector_load %parallel_loop3A_281[%parallel_loop3A_282, %parallel_loop3A_283] {strides = array<i32>} : memref<128x128xf32, #tpu.memory_space<vmem>>, vector<16xf32>,
        %parallel_loop3A_285 = arith.addf %parallel_loop3A_277, %parallel_loop3A_284 : vector<16xf32>
        %parallel_loop3A_286 = arith.constant 0 : i32
        %parallel_loop3A_287 = arith.constant 0 : i32
        %parallel_loop3A_288 = tpu.memref_slice %arg11[%parallel_loop3A_149, %parallel_loop3A_286, %parallel_loop3A_287] : memref<2x128x128xf32, #tpu.memory_space<vmem>> -> memref<1x128x128xf32, #tpu.memory_space<vmem>>
        %parallel_loop3A_289 = tpu.memref_squeeze %parallel_loop3A_288 : memref<1x128x128xf32, #tpu.memory_space<vmem>> -> memref<128x128xf32, #tpu.memory_space<vmem>>
        %parallel_loop3A_290 = arith.index_cast %parallel_loop3A_240 : i32 to index
        %parallel_loop3A_291 = arith.constant 48 : index
        %parallel_loop3A_292 = tpu.vector_load %parallel_loop3A_289[%parallel_loop3A_290, %parallel_loop3A_291] {strides = array<i32>} : memref<128x128xf32, #tpu.memory_space<vmem>>, vector<16xf32>,
        %parallel_loop3A_293 = arith.constant 0 : i32
        %parallel_loop3A_294 = arith.constant 0 : i32
        %parallel_loop3A_295 = tpu.memref_slice %arg12[%parallel_loop3A_150, %parallel_loop3A_293, %parallel_loop3A_294] : memref<2x128x128xf32, #tpu.memory_space<vmem>> -> memref<1x128x128xf32, #tpu.memory_space<vmem>>
        %parallel_loop3A_296 = tpu.memref_squeeze %parallel_loop3A_295 : memref<1x128x128xf32, #tpu.memory_space<vmem>> -> memref<128x128xf32, #tpu.memory_space<vmem>>
        %parallel_loop3A_297 = arith.index_cast %parallel_loop3A_240 : i32 to index
        %parallel_loop3A_298 = arith.constant 48 : index
        %parallel_loop3A_299 = tpu.vector_load %parallel_loop3A_296[%parallel_loop3A_297, %parallel_loop3A_298] {strides = array<i32>} : memref<128x128xf32, #tpu.memory_space<vmem>>, vector<16xf32>,
        %parallel_loop3A_300 = arith.addf %parallel_loop3A_292, %parallel_loop3A_299 : vector<16xf32>
        %parallel_loop3A_301 = arith.constant 0 : i32
        %parallel_loop3A_302 = arith.constant 0 : i32
        %parallel_loop3A_303 = tpu.memref_slice %arg11[%parallel_loop3A_149, %parallel_loop3A_301, %parallel_loop3A_302] : memref<2x128x128xf32, #tpu.memory_space<vmem>> -> memref<1x128x128xf32, #tpu.memory_space<vmem>>
        %parallel_loop3A_304 = tpu.memref_squeeze %parallel_loop3A_303 : memref<1x128x128xf32, #tpu.memory_space<vmem>> -> memref<128x128xf32, #tpu.memory_space<vmem>>
        %parallel_loop3A_305 = arith.index_cast %parallel_loop3A_240 : i32 to index
        %parallel_loop3A_306 = arith.constant 64 : index
        %parallel_loop3A_307 = tpu.vector_load %parallel_loop3A_304[%parallel_loop3A_305, %parallel_loop3A_306] {strides = array<i32>} : memref<128x128xf32, #tpu.memory_space<vmem>>, vector<16xf32>,
        %parallel_loop3A_308 = arith.constant 0 : i32
        %parallel_loop3A_309 = arith.constant 0 : i32
        %parallel_loop3A_310 = tpu.memref_slice %arg12[%parallel_loop3A_150, %parallel_loop3A_308, %parallel_loop3A_309] : memref<2x128x128xf32, #tpu.memory_space<vmem>> -> memref<1x128x128xf32, #tpu.memory_space<vmem>>
        %parallel_loop3A_311 = tpu.memref_squeeze %parallel_loop3A_310 : memref<1x128x128xf32, #tpu.memory_space<vmem>> -> memref<128x128xf32, #tpu.memory_space<vmem>>
        %parallel_loop3A_312 = arith.index_cast %parallel_loop3A_240 : i32 to index
        %parallel_loop3A_313 = arith.constant 64 : index
        %parallel_loop3A_314 = tpu.vector_load %parallel_loop3A_311[%parallel_loop3A_312, %parallel_loop3A_313] {strides = array<i32>} : memref<128x128xf32, #tpu.memory_space<vmem>>, vector<16xf32>,
        %parallel_loop3A_315 = arith.addf %parallel_loop3A_307, %parallel_loop3A_314 : vector<16xf32>
        %parallel_loop3A_316 = arith.constant 0 : i32
        %parallel_loop3A_317 = arith.constant 0 : i32
        %parallel_loop3A_318 = tpu.memref_slice %arg11[%parallel_loop3A_149, %parallel_loop3A_316, %parallel_loop3A_317] : memref<2x128x128xf32, #tpu.memory_space<vmem>> -> memref<1x128x128xf32, #tpu.memory_space<vmem>>
        %parallel_loop3A_319 = tpu.memref_squeeze %parallel_loop3A_318 : memref<1x128x128xf32, #tpu.memory_space<vmem>> -> memref<128x128xf32, #tpu.memory_space<vmem>>
        %parallel_loop3A_320 = arith.index_cast %parallel_loop3A_240 : i32 to index
        %parallel_loop3A_321 = arith.constant 80 : index
        %parallel_loop3A_322 = tpu.vector_load %parallel_loop3A_319[%parallel_loop3A_320, %parallel_loop3A_321] {strides = array<i32>} : memref<128x128xf32, #tpu.memory_space<vmem>>, vector<16xf32>,
        %parallel_loop3A_323 = arith.constant 0 : i32
        %parallel_loop3A_324 = arith.constant 0 : i32
        %parallel_loop3A_325 = tpu.memref_slice %arg12[%parallel_loop3A_150, %parallel_loop3A_323, %parallel_loop3A_324] : memref<2x128x128xf32, #tpu.memory_space<vmem>> -> memref<1x128x128xf32, #tpu.memory_space<vmem>>
        %parallel_loop3A_326 = tpu.memref_squeeze %parallel_loop3A_325 : memref<1x128x128xf32, #tpu.memory_space<vmem>> -> memref<128x128xf32, #tpu.memory_space<vmem>>
        %parallel_loop3A_327 = arith.index_cast %parallel_loop3A_240 : i32 to index
        %parallel_loop3A_328 = arith.constant 80 : index
        %parallel_loop3A_329 = tpu.vector_load %parallel_loop3A_326[%parallel_loop3A_327, %parallel_loop3A_328] {strides = array<i32>} : memref<128x128xf32, #tpu.memory_space<vmem>>, vector<16xf32>,
        %parallel_loop3A_330 = arith.addf %parallel_loop3A_322, %parallel_loop3A_329 : vector<16xf32>
        %parallel_loop3A_331 = arith.constant 0 : i32
        %parallel_loop3A_332 = arith.constant 0 : i32
        %parallel_loop3A_333 = tpu.memref_slice %arg11[%parallel_loop3A_149, %parallel_loop3A_331, %parallel_loop3A_332] : memref<2x128x128xf32, #tpu.memory_space<vmem>> -> memref<1x128x128xf32, #tpu.memory_space<vmem>>
        %parallel_loop3A_334 = tpu.memref_squeeze %parallel_loop3A_333 : memref<1x128x128xf32, #tpu.memory_space<vmem>> -> memref<128x128xf32, #tpu.memory_space<vmem>>
        %parallel_loop3A_335 = arith.index_cast %parallel_loop3A_240 : i32 to index
        %parallel_loop3A_336 = arith.constant 96 : index
        %parallel_loop3A_337 = tpu.vector_load %parallel_loop3A_334[%parallel_loop3A_335, %parallel_loop3A_336] {strides = array<i32>} : memref<128x128xf32, #tpu.memory_space<vmem>>, vector<16xf32>,
        %parallel_loop3A_338 = arith.constant 0 : i32
        %parallel_loop3A_339 = arith.constant 0 : i32
        %parallel_loop3A_340 = tpu.memref_slice %arg12[%parallel_loop3A_150, %parallel_loop3A_338, %parallel_loop3A_339] : memref<2x128x128xf32, #tpu.memory_space<vmem>> -> memref<1x128x128xf32, #tpu.memory_space<vmem>>
        %parallel_loop3A_341 = tpu.memref_squeeze %parallel_loop3A_340 : memref<1x128x128xf32, #tpu.memory_space<vmem>> -> memref<128x128xf32, #tpu.memory_space<vmem>>
        %parallel_loop3A_342 = arith.index_cast %parallel_loop3A_240 : i32 to index
        %parallel_loop3A_343 = arith.constant 96 : index
        %parallel_loop3A_344 = tpu.vector_load %parallel_loop3A_341[%parallel_loop3A_342, %parallel_loop3A_343] {strides = array<i32>} : memref<128x128xf32, #tpu.memory_space<vmem>>, vector<16xf32>,
        %parallel_loop3A_345 = arith.addf %parallel_loop3A_337, %parallel_loop3A_344 : vector<16xf32>
        %parallel_loop3A_346 = arith.constant 0 : i32
        %parallel_loop3A_347 = arith.constant 0 : i32
        %parallel_loop3A_348 = tpu.memref_slice %arg11[%parallel_loop3A_149, %parallel_loop3A_346, %parallel_loop3A_347] : memref<2x128x128xf32, #tpu.memory_space<vmem>> -> memref<1x128x128xf32, #tpu.memory_space<vmem>>
        %parallel_loop3A_349 = tpu.memref_squeeze %parallel_loop3A_348 : memref<1x128x128xf32, #tpu.memory_space<vmem>> -> memref<128x128xf32, #tpu.memory_space<vmem>>
        %parallel_loop3A_350 = arith.index_cast %parallel_loop3A_240 : i32 to index
        %parallel_loop3A_351 = arith.constant 112 : index
        %parallel_loop3A_352 = tpu.vector_load %parallel_loop3A_349[%parallel_loop3A_350, %parallel_loop3A_351] {strides = array<i32>} : memref<128x128xf32, #tpu.memory_space<vmem>>, vector<16xf32>,
        %parallel_loop3A_353 = arith.constant 0 : i32
        %parallel_loop3A_354 = arith.constant 0 : i32
        %parallel_loop3A_355 = tpu.memref_slice %arg12[%parallel_loop3A_150, %parallel_loop3A_353, %parallel_loop3A_354] : memref<2x128x128xf32, #tpu.memory_space<vmem>> -> memref<1x128x128xf32, #tpu.memory_space<vmem>>
        %parallel_loop3A_356 = tpu.memref_squeeze %parallel_loop3A_355 : memref<1x128x128xf32, #tpu.memory_space<vmem>> -> memref<128x128xf32, #tpu.memory_space<vmem>>
        %parallel_loop3A_357 = arith.index_cast %parallel_loop3A_240 : i32 to index
        %parallel_loop3A_358 = arith.constant 112 : index
        %parallel_loop3A_359 = tpu.vector_load %parallel_loop3A_356[%parallel_loop3A_357, %parallel_loop3A_358] {strides = array<i32>} : memref<128x128xf32, #tpu.memory_space<vmem>>, vector<16xf32>,
        %parallel_loop3A_360 = arith.addf %parallel_loop3A_352, %parallel_loop3A_359 : vector<16xf32>
        %parallel_loop3A_361 = arith.addf %parallel_loop3A_255, %parallel_loop3A_270 : vector<16xf32>
        %parallel_loop3A_362 = arith.addf %parallel_loop3A_285, %parallel_loop3A_300 : vector<16xf32>
        %parallel_loop3A_363 = arith.addf %parallel_loop3A_361, %parallel_loop3A_362 : vector<16xf32>
        %parallel_loop3A_364 = arith.addf %parallel_loop3A_315, %parallel_loop3A_330 : vector<16xf32>
        %parallel_loop3A_365 = arith.addf %parallel_loop3A_345, %parallel_loop3A_360 : vector<16xf32>
        %parallel_loop3A_366 = arith.addf %parallel_loop3A_364, %parallel_loop3A_365 : vector<16xf32>
        %parallel_loop3A_367 = arith.addf %parallel_loop3A_363, %parallel_loop3A_366 : vector<16xf32>
        %parallel_loop3A_368 = arith.constant true
        %parallel_loop3A_369 = vector.broadcast %parallel_loop3A_368 : i1 to vector<16xi1>
        %parallel_loop3A_370 = tpu.scan <sum>, %parallel_loop3A_367 masked %parallel_loop3A_369 : vector<16xf32>, vector<16xi1> -> vector<16xf32>
        %parallel_loop3A_371 = vector.extract %parallel_loop3A_370[15] : f32 from vector<16xf32>
        %parallel_loop3A_372 = arith.mulf %parallel_loop3A_255, %parallel_loop3A_255 : vector<16xf32>
        %parallel_loop3A_373 = arith.mulf %parallel_loop3A_270, %parallel_loop3A_270 : vector<16xf32>
        %parallel_loop3A_374 = arith.addf %parallel_loop3A_372, %parallel_loop3A_373 : vector<16xf32>
        %parallel_loop3A_375 = arith.mulf %parallel_loop3A_285, %parallel_loop3A_285 : vector<16xf32>
        %parallel_loop3A_376 = arith.mulf %parallel_loop3A_300, %parallel_loop3A_300 : vector<16xf32>
        %parallel_loop3A_377 = arith.addf %parallel_loop3A_375, %parallel_loop3A_376 : vector<16xf32>
        %parallel_loop3A_378 = arith.addf %parallel_loop3A_374, %parallel_loop3A_377 : vector<16xf32>
        %parallel_loop3A_379 = arith.mulf %parallel_loop3A_315, %parallel_loop3A_315 : vector<16xf32>
        %parallel_loop3A_380 = arith.mulf %parallel_loop3A_330, %parallel_loop3A_330 : vector<16xf32>
        %parallel_loop3A_381 = arith.addf %parallel_loop3A_379, %parallel_loop3A_380 : vector<16xf32>
        %parallel_loop3A_382 = arith.mulf %parallel_loop3A_345, %parallel_loop3A_345 : vector<16xf32>
        %parallel_loop3A_383 = arith.mulf %parallel_loop3A_360, %parallel_loop3A_360 : vector<16xf32>
        %parallel_loop3A_384 = arith.addf %parallel_loop3A_382, %parallel_loop3A_383 : vector<16xf32>
        %parallel_loop3A_385 = arith.addf %parallel_loop3A_381, %parallel_loop3A_384 : vector<16xf32>
        %parallel_loop3A_386 = arith.addf %parallel_loop3A_378, %parallel_loop3A_385 : vector<16xf32>
        %parallel_loop3A_387 = arith.constant true
        %parallel_loop3A_388 = vector.broadcast %parallel_loop3A_387 : i1 to vector<16xi1>
        %parallel_loop3A_389 = tpu.scan <sum>, %parallel_loop3A_386 masked %parallel_loop3A_388 : vector<16xf32>, vector<16xi1> -> vector<16xf32>
        %parallel_loop3A_390 = vector.extract %parallel_loop3A_389[15] : f32 from vector<16xf32>
        %parallel_loop3A_391 = arith.constant 7.812500e-03 : f32
        %parallel_loop3A_392 = arith.mulf %parallel_loop3A_371, %parallel_loop3A_391 : f32
        %parallel_loop3A_393 = arith.constant 7.812500e-03 : f32
        %parallel_loop3A_394 = arith.mulf %parallel_loop3A_390, %parallel_loop3A_393 : f32
        %parallel_loop3A_395 = arith.mulf %parallel_loop3A_392, %parallel_loop3A_392 : f32
        %parallel_loop3A_396 = arith.subf %parallel_loop3A_394, %parallel_loop3A_395 : f32
        %parallel_loop3A_397 = arith.constant 9.99999996E-13 : f32
        %parallel_loop3A_398 = arith.addf %parallel_loop3A_396, %parallel_loop3A_397 : f32
        %parallel_loop3A_399 = arith.bitcast %parallel_loop3A_398 : f32 to i32
        %parallel_loop3A_400 = arith.constant 1 : i32
        %parallel_loop3A_401 = arith.shrui %parallel_loop3A_399, %parallel_loop3A_400 : i32
        %parallel_loop3A_402 = arith.constant 1597463007 : i32
        %parallel_loop3A_403 = arith.subi %parallel_loop3A_402, %parallel_loop3A_401 : i32
        %parallel_loop3A_404 = arith.bitcast %parallel_loop3A_403 : i32 to f32
        %parallel_loop3A_405 = arith.constant 5.000000e-01 : f32
        %parallel_loop3A_406 = arith.mulf %parallel_loop3A_405, %parallel_loop3A_398 : f32
        %parallel_loop3A_407 = arith.mulf %parallel_loop3A_406, %parallel_loop3A_404 : f32
        %parallel_loop3A_408 = arith.mulf %parallel_loop3A_407, %parallel_loop3A_404 : f32
        %parallel_loop3A_409 = arith.constant 1.500000e+00 : f32
        %parallel_loop3A_410 = arith.subf %parallel_loop3A_409, %parallel_loop3A_408 : f32
        %parallel_loop3A_411 = arith.mulf %parallel_loop3A_404, %parallel_loop3A_410 : f32
        %parallel_loop3A_412 = arith.constant 5.000000e-01 : f32
        %parallel_loop3A_413 = arith.mulf %parallel_loop3A_412, %parallel_loop3A_398 : f32
        %parallel_loop3A_414 = arith.mulf %parallel_loop3A_413, %parallel_loop3A_411 : f32
        %parallel_loop3A_415 = arith.mulf %parallel_loop3A_414, %parallel_loop3A_411 : f32
        %parallel_loop3A_416 = arith.constant 1.500000e+00 : f32
        %parallel_loop3A_417 = arith.subf %parallel_loop3A_416, %parallel_loop3A_415 : f32
        %parallel_loop3A_418 = arith.mulf %parallel_loop3A_411, %parallel_loop3A_417 : f32
        %parallel_loop3A_419 = arith.constant 5.000000e-01 : f32
        %parallel_loop3A_420 = arith.mulf %parallel_loop3A_419, %parallel_loop3A_398 : f32
        %parallel_loop3A_421 = arith.mulf %parallel_loop3A_420, %parallel_loop3A_418 : f32
        %parallel_loop3A_422 = arith.mulf %parallel_loop3A_421, %parallel_loop3A_418 : f32
        %parallel_loop3A_423 = arith.constant 1.500000e+00 : f32
        %parallel_loop3A_424 = arith.subf %parallel_loop3A_423, %parallel_loop3A_422 : f32
        %parallel_loop3A_425 = arith.mulf %parallel_loop3A_418, %parallel_loop3A_424 : f32
        %parallel_loop3A_426 = vector.broadcast %parallel_loop3A_392 : f32 to vector<16xf32>
        %parallel_loop3A_427 = vector.broadcast %parallel_loop3A_425 : f32 to vector<16xf32>
        %parallel_loop3A_428 = arith.subf %parallel_loop3A_255, %parallel_loop3A_426 : vector<16xf32>
        %parallel_loop3A_429 = arith.mulf %parallel_loop3A_428, %parallel_loop3A_427 : vector<16xf32>
        %parallel_loop3A_430 = arith.mulf %parallel_loop3A_429, %get3A_48 : vector<16xf32>
        %parallel_loop3A_431 = arith.addf %parallel_loop3A_430, %get3A_50 : vector<16xf32>
        %parallel_loop3A_432 = arith.constant 0 : i32
        %parallel_loop3A_433 = arith.constant 0 : i32
        %parallel_loop3A_434 = tpu.memref_slice %arg13[%parallel_loop3A_151, %parallel_loop3A_432, %parallel_loop3A_433] : memref<2x128x128xf32, #tpu.memory_space<vmem>> -> memref<1x128x128xf32, #tpu.memory_space<vmem>>
        %parallel_loop3A_435 = tpu.memref_squeeze %parallel_loop3A_434 : memref<1x128x128xf32, #tpu.memory_space<vmem>> -> memref<128x128xf32, #tpu.memory_space<vmem>>
        %parallel_loop3A_436 = arith.index_cast %parallel_loop3A_240 : i32 to index
        %parallel_loop3A_437 = arith.constant 0 : index
        %parallel_loop3A_438 = tpu.vector_load %parallel_loop3A_435[%parallel_loop3A_436, %parallel_loop3A_437] {strides = array<i32>} : memref<128x128xf32, #tpu.memory_space<vmem>>, vector<16xf32>,
        tpu.vector_store %parallel_loop3A_435[%parallel_loop3A_436, %parallel_loop3A_437], %parallel_loop3A_431 {strides = array<i32>} : memref<128x128xf32, #tpu.memory_space<vmem>>, vector<16xf32>,
        %parallel_loop3A_439 = arith.subf %parallel_loop3A_270, %parallel_loop3A_426 : vector<16xf32>
        %parallel_loop3A_440 = arith.mulf %parallel_loop3A_439, %parallel_loop3A_427 : vector<16xf32>
        %parallel_loop3A_441 = arith.mulf %parallel_loop3A_440, %get3A_52 : vector<16xf32>
        %parallel_loop3A_442 = arith.addf %parallel_loop3A_441, %get3A_54 : vector<16xf32>
        %parallel_loop3A_443 = arith.constant 0 : i32
        %parallel_loop3A_444 = arith.constant 0 : i32
        %parallel_loop3A_445 = tpu.memref_slice %arg13[%parallel_loop3A_151, %parallel_loop3A_443, %parallel_loop3A_444] : memref<2x128x128xf32, #tpu.memory_space<vmem>> -> memref<1x128x128xf32, #tpu.memory_space<vmem>>
        %parallel_loop3A_446 = tpu.memref_squeeze %parallel_loop3A_445 : memref<1x128x128xf32, #tpu.memory_space<vmem>> -> memref<128x128xf32, #tpu.memory_space<vmem>>
        %parallel_loop3A_447 = arith.index_cast %parallel_loop3A_240 : i32 to index
        %parallel_loop3A_448 = arith.constant 16 : index
        %parallel_loop3A_449 = tpu.vector_load %parallel_loop3A_446[%parallel_loop3A_447, %parallel_loop3A_448] {strides = array<i32>} : memref<128x128xf32, #tpu.memory_space<vmem>>, vector<16xf32>,
        tpu.vector_store %parallel_loop3A_446[%parallel_loop3A_447, %parallel_loop3A_448], %parallel_loop3A_442 {strides = array<i32>} : memref<128x128xf32, #tpu.memory_space<vmem>>, vector<16xf32>,
        %parallel_loop3A_450 = arith.subf %parallel_loop3A_285, %parallel_loop3A_426 : vector<16xf32>
        %parallel_loop3A_451 = arith.mulf %parallel_loop3A_450, %parallel_loop3A_427 : vector<16xf32>
        %parallel_loop3A_452 = arith.mulf %parallel_loop3A_451, %get3A_56 : vector<16xf32>
        %parallel_loop3A_453 = arith.addf %parallel_loop3A_452, %get3A_58 : vector<16xf32>
        %parallel_loop3A_454 = arith.constant 0 : i32
        %parallel_loop3A_455 = arith.constant 0 : i32
        %parallel_loop3A_456 = tpu.memref_slice %arg13[%parallel_loop3A_151, %parallel_loop3A_454, %parallel_loop3A_455] : memref<2x128x128xf32, #tpu.memory_space<vmem>> -> memref<1x128x128xf32, #tpu.memory_space<vmem>>
        %parallel_loop3A_457 = tpu.memref_squeeze %parallel_loop3A_456 : memref<1x128x128xf32, #tpu.memory_space<vmem>> -> memref<128x128xf32, #tpu.memory_space<vmem>>
        %parallel_loop3A_458 = arith.index_cast %parallel_loop3A_240 : i32 to index
        %parallel_loop3A_459 = arith.constant 32 : index
        %parallel_loop3A_460 = tpu.vector_load %parallel_loop3A_457[%parallel_loop3A_458, %parallel_loop3A_459] {strides = array<i32>} : memref<128x128xf32, #tpu.memory_space<vmem>>, vector<16xf32>,
        tpu.vector_store %parallel_loop3A_457[%parallel_loop3A_458, %parallel_loop3A_459], %parallel_loop3A_453 {strides = array<i32>} : memref<128x128xf32, #tpu.memory_space<vmem>>, vector<16xf32>,
        %parallel_loop3A_461 = arith.subf %parallel_loop3A_300, %parallel_loop3A_426 : vector<16xf32>
        %parallel_loop3A_462 = arith.mulf %parallel_loop3A_461, %parallel_loop3A_427 : vector<16xf32>
        %parallel_loop3A_463 = arith.mulf %parallel_loop3A_462, %get3A_60 : vector<16xf32>
        %parallel_loop3A_464 = arith.addf %parallel_loop3A_463, %get3A_62 : vector<16xf32>
        %parallel_loop3A_465 = arith.constant 0 : i32
        %parallel_loop3A_466 = arith.constant 0 : i32
        %parallel_loop3A_467 = tpu.memref_slice %arg13[%parallel_loop3A_151, %parallel_loop3A_465, %parallel_loop3A_466] : memref<2x128x128xf32, #tpu.memory_space<vmem>> -> memref<1x128x128xf32, #tpu.memory_space<vmem>>
        %parallel_loop3A_468 = tpu.memref_squeeze %parallel_loop3A_467 : memref<1x128x128xf32, #tpu.memory_space<vmem>> -> memref<128x128xf32, #tpu.memory_space<vmem>>
        %parallel_loop3A_469 = arith.index_cast %parallel_loop3A_240 : i32 to index
        %parallel_loop3A_470 = arith.constant 48 : index
        %parallel_loop3A_471 = tpu.vector_load %parallel_loop3A_468[%parallel_loop3A_469, %parallel_loop3A_470] {strides = array<i32>} : memref<128x128xf32, #tpu.memory_space<vmem>>, vector<16xf32>,
        tpu.vector_store %parallel_loop3A_468[%parallel_loop3A_469, %parallel_loop3A_470], %parallel_loop3A_464 {strides = array<i32>} : memref<128x128xf32, #tpu.memory_space<vmem>>, vector<16xf32>,
        %parallel_loop3A_472 = arith.subf %parallel_loop3A_315, %parallel_loop3A_426 : vector<16xf32>
        %parallel_loop3A_473 = arith.mulf %parallel_loop3A_472, %parallel_loop3A_427 : vector<16xf32>
        %parallel_loop3A_474 = arith.mulf %parallel_loop3A_473, %get3A_64 : vector<16xf32>
        %parallel_loop3A_475 = arith.addf %parallel_loop3A_474, %get3A_66 : vector<16xf32>
        %parallel_loop3A_476 = arith.constant 0 : i32
        %parallel_loop3A_477 = arith.constant 0 : i32
        %parallel_loop3A_478 = tpu.memref_slice %arg13[%parallel_loop3A_151, %parallel_loop3A_476, %parallel_loop3A_477] : memref<2x128x128xf32, #tpu.memory_space<vmem>> -> memref<1x128x128xf32, #tpu.memory_space<vmem>>
        %parallel_loop3A_479 = tpu.memref_squeeze %parallel_loop3A_478 : memref<1x128x128xf32, #tpu.memory_space<vmem>> -> memref<128x128xf32, #tpu.memory_space<vmem>>
        %parallel_loop3A_480 = arith.index_cast %parallel_loop3A_240 : i32 to index
        %parallel_loop3A_481 = arith.constant 64 : index
        %parallel_loop3A_482 = tpu.vector_load %parallel_loop3A_479[%parallel_loop3A_480, %parallel_loop3A_481] {strides = array<i32>} : memref<128x128xf32, #tpu.memory_space<vmem>>, vector<16xf32>,
        tpu.vector_store %parallel_loop3A_479[%parallel_loop3A_480, %parallel_loop3A_481], %parallel_loop3A_475 {strides = array<i32>} : memref<128x128xf32, #tpu.memory_space<vmem>>, vector<16xf32>,
        %parallel_loop3A_483 = arith.subf %parallel_loop3A_330, %parallel_loop3A_426 : vector<16xf32>
        %parallel_loop3A_484 = arith.mulf %parallel_loop3A_483, %parallel_loop3A_427 : vector<16xf32>
        %parallel_loop3A_485 = arith.mulf %parallel_loop3A_484, %get3A_68 : vector<16xf32>
        %parallel_loop3A_486 = arith.addf %parallel_loop3A_485, %get3A_70 : vector<16xf32>
        %parallel_loop3A_487 = arith.constant 0 : i32
        %parallel_loop3A_488 = arith.constant 0 : i32
        %parallel_loop3A_489 = tpu.memref_slice %arg13[%parallel_loop3A_151, %parallel_loop3A_487, %parallel_loop3A_488] : memref<2x128x128xf32, #tpu.memory_space<vmem>> -> memref<1x128x128xf32, #tpu.memory_space<vmem>>
        %parallel_loop3A_490 = tpu.memref_squeeze %parallel_loop3A_489 : memref<1x128x128xf32, #tpu.memory_space<vmem>> -> memref<128x128xf32, #tpu.memory_space<vmem>>
        %parallel_loop3A_491 = arith.index_cast %parallel_loop3A_240 : i32 to index
        %parallel_loop3A_492 = arith.constant 80 : index
        %parallel_loop3A_493 = tpu.vector_load %parallel_loop3A_490[%parallel_loop3A_491, %parallel_loop3A_492] {strides = array<i32>} : memref<128x128xf32, #tpu.memory_space<vmem>>, vector<16xf32>,
        tpu.vector_store %parallel_loop3A_490[%parallel_loop3A_491, %parallel_loop3A_492], %parallel_loop3A_486 {strides = array<i32>} : memref<128x128xf32, #tpu.memory_space<vmem>>, vector<16xf32>,
        %parallel_loop3A_494 = arith.subf %parallel_loop3A_345, %parallel_loop3A_426 : vector<16xf32>
        %parallel_loop3A_495 = arith.mulf %parallel_loop3A_494, %parallel_loop3A_427 : vector<16xf32>
        %parallel_loop3A_496 = arith.mulf %parallel_loop3A_495, %get3A_72 : vector<16xf32>
        %parallel_loop3A_497 = arith.addf %parallel_loop3A_496, %get3A_74 : vector<16xf32>
        %parallel_loop3A_498 = arith.constant 0 : i32
        %parallel_loop3A_499 = arith.constant 0 : i32
        %parallel_loop3A_500 = tpu.memref_slice %arg13[%parallel_loop3A_151, %parallel_loop3A_498, %parallel_loop3A_499] : memref<2x128x128xf32, #tpu.memory_space<vmem>> -> memref<1x128x128xf32, #tpu.memory_space<vmem>>
        %parallel_loop3A_501 = tpu.memref_squeeze %parallel_loop3A_500 : memref<1x128x128xf32, #tpu.memory_space<vmem>> -> memref<128x128xf32, #tpu.memory_space<vmem>>
        %parallel_loop3A_502 = arith.index_cast %parallel_loop3A_240 : i32 to index
        %parallel_loop3A_503 = arith.constant 96 : index
        %parallel_loop3A_504 = tpu.vector_load %parallel_loop3A_501[%parallel_loop3A_502, %parallel_loop3A_503] {strides = array<i32>} : memref<128x128xf32, #tpu.memory_space<vmem>>, vector<16xf32>,
        tpu.vector_store %parallel_loop3A_501[%parallel_loop3A_502, %parallel_loop3A_503], %parallel_loop3A_497 {strides = array<i32>} : memref<128x128xf32, #tpu.memory_space<vmem>>, vector<16xf32>,
        %parallel_loop3A_505 = arith.subf %parallel_loop3A_360, %parallel_loop3A_426 : vector<16xf32>
        %parallel_loop3A_506 = arith.mulf %parallel_loop3A_505, %parallel_loop3A_427 : vector<16xf32>
        %parallel_loop3A_507 = arith.mulf %parallel_loop3A_506, %get3A_76 : vector<16xf32>
        %parallel_loop3A_508 = arith.addf %parallel_loop3A_507, %get3A_78 : vector<16xf32>
        %parallel_loop3A_509 = arith.constant 0 : i32
        %parallel_loop3A_510 = arith.constant 0 : i32
        %parallel_loop3A_511 = tpu.memref_slice %arg13[%parallel_loop3A_151, %parallel_loop3A_509, %parallel_loop3A_510] : memref<2x128x128xf32, #tpu.memory_space<vmem>> -> memref<1x128x128xf32, #tpu.memory_space<vmem>>
        %parallel_loop3A_512 = tpu.memref_squeeze %parallel_loop3A_511 : memref<1x128x128xf32, #tpu.memory_space<vmem>> -> memref<128x128xf32, #tpu.memory_space<vmem>>
        %parallel_loop3A_513 = arith.index_cast %parallel_loop3A_240 : i32 to index
        %parallel_loop3A_514 = arith.constant 112 : index
        %parallel_loop3A_515 = tpu.vector_load %parallel_loop3A_512[%parallel_loop3A_513, %parallel_loop3A_514] {strides = array<i32>} : memref<128x128xf32, #tpu.memory_space<vmem>>, vector<16xf32>,
        tpu.vector_store %parallel_loop3A_512[%parallel_loop3A_513, %parallel_loop3A_514], %parallel_loop3A_508 {strides = array<i32>} : memref<128x128xf32, #tpu.memory_space<vmem>>, vector<16xf32>,
      } {sc.loop_unroll_factor = 2 : i64, sc.parallel_access}
      %mul3A_152 = arith.constant 128 : i32
      %mul3A_153 = arith.muli %add3A_114, %mul3A_152 : i32
      %add3A_154 = arith.addi %mul3A_2, %mul3A_153 : i32
      %dma_start3A_155 = arith.constant 0 : i32
      %dma_start3A_156 = arith.constant 0 : i32
      %dma_start3A_157 = arith.constant 0 : i32
      %dma_start3A_158 = tpu.memref_slice %arg13[%dma_start3A_155, %dma_start3A_156, %dma_start3A_157] : memref<2x128x128xf32, #tpu.memory_space<vmem>> -> memref<1x128x128xf32, #tpu.memory_space<vmem>>
      %dma_start3A_159 = tpu.memref_squeeze %dma_start3A_158 : memref<1x128x128xf32, #tpu.memory_space<vmem>> -> memref<128x128xf32, #tpu.memory_space<vmem>>
      %dma_start3A_160 = arith.constant 0 : i32
      %dma_start3A_161 = tpu.memref_slice %arg7[%add3A_154, %dma_start3A_160] : memref<32768x128xf32, #tpu.memory_space<hbm>> -> memref<128x128xf32, #tpu.memory_space<hbm>>
      %dma_start3A_162 = arith.constant 0 : i32
      %dma_start3A_163 = tpu.memref_slice %arg7[%add3A_154, %dma_start3A_162] : memref<32768x128xf32, #tpu.memory_space<hbm>> -> memref<128x128xf32, #tpu.memory_space<hbm>>
      %dma_start3A_164 = arith.constant 0 : i32
      %dma_start3A_165 = arith.constant 0 : i32
      %dma_start3A_166 = tpu.memref_slice %arg13[%dma_start3A_155, %dma_start3A_164, %dma_start3A_165] : memref<2x128x128xf32, #tpu.memory_space<vmem>> -> memref<1x128x128xf32, #tpu.memory_space<vmem>>
      %dma_start3A_167 = tpu.memref_squeeze %dma_start3A_166 : memref<1x128x128xf32, #tpu.memory_space<vmem>> -> memref<128x128xf32, #tpu.memory_space<vmem>>
      tpu.enqueue_dma source(%dma_start3A_167 : memref<128x128xf32, #tpu.memory_space<vmem>>) target(%dma_start3A_163 : memref<128x128xf32, #tpu.memory_space<hbm>>) target_semaphore(%arg19 : memref<!tpu.dma_semaphore, #tpu.memory_space<semaphore_mem>>)
      %add3A_168 = arith.constant 2 : i32
      %add3A_169 = arith.addi %add3A_114, %add3A_168 : i32
      %lt3A = arith.constant 8 : i32
      %lt3A_170 = arith.cmpi slt, %add3A_169, %lt3A : i32
      %convert_element_type3A_171 = arith.extui %lt3A_170 : i1 to i32
      %cond3A_172 = arith.constant 0 : i32
      %cond3A_173 = arith.cmpi ne, %convert_element_type3A_171, %cond3A_172 : i32
      scf.if %cond3A_173 {
        %add3A_240 = arith.constant 2 : i32
        %add3A_241 = arith.addi %add3A_114, %add3A_240 : i32
        %mul3A_242 = arith.constant 128 : i32
        %mul3A_243 = arith.muli %add3A_241, %mul3A_242 : i32
        %dma_start3A_244 = arith.constant 0 : i32
        %dma_start3A_245 = arith.constant 0 : i32
        %dma_start3A_246 = arith.constant 0 : i32
        %dma_start3A_247 = tpu.memref_slice %arg11[%dma_start3A_244, %dma_start3A_245, %dma_start3A_246] : memref<2x128x128xf32, #tpu.memory_space<vmem>> -> memref<1x128x128xf32, #tpu.memory_space<vmem>>
        %dma_start3A_248 = tpu.memref_squeeze %dma_start3A_247 : memref<1x128x128xf32, #tpu.memory_space<vmem>> -> memref<128x128xf32, #tpu.memory_space<vmem>>
        %dma_start3A_249 = tpu.memref_slice %arg8[%mul3A_243] : memref<2048xi32, #tpu.memory_space<vmem>> -> memref<128xi32, #tpu.memory_space<vmem>>
        %dma_start3A_250 = arith.constant 0 : i32
        %dma_start3A_251 = arith.constant 0 : i32
        %dma_start3A_252 = tpu.memref_slice %arg2[%dma_start3A_250, %dma_start3A_251] : memref<30000x128xf32, #tpu.memory_space<hbm>> -> memref<30000x128xf32, #tpu.memory_space<hbm>>
        tpu.enqueue_indirect_dma source(%dma_start3A_252 : memref<30000x128xf32, #tpu.memory_space<hbm>>) target(%dma_start3A_248 : memref<128x128xf32, #tpu.memory_space<vmem>>) offsets(%dma_start3A_249 : memref<128xi32, #tpu.memory_space<vmem>>) semaphore(%arg15 : memref<!tpu.dma_semaphore, #tpu.memory_space<semaphore_mem>>)
        %mul3A_253 = arith.constant 128 : i32
        %mul3A_254 = arith.muli %add3A_241, %mul3A_253 : i32
        %add3A_255 = arith.constant 1024 : i32
        %add3A_256 = arith.addi %add3A_255, %mul3A_254 : i32
        %dma_start3A_257 = arith.constant 0 : i32
        %dma_start3A_258 = arith.constant 0 : i32
        %dma_start3A_259 = arith.constant 0 : i32
        %dma_start3A_260 = tpu.memref_slice %arg12[%dma_start3A_257, %dma_start3A_258, %dma_start3A_259] : memref<2x128x128xf32, #tpu.memory_space<vmem>> -> memref<1x128x128xf32, #tpu.memory_space<vmem>>
        %dma_start3A_261 = tpu.memref_squeeze %dma_start3A_260 : memref<1x128x128xf32, #tpu.memory_space<vmem>> -> memref<128x128xf32, #tpu.memory_space<vmem>>
        %dma_start3A_262 = tpu.memref_slice %arg8[%add3A_256] : memref<2048xi32, #tpu.memory_space<vmem>> -> memref<128xi32, #tpu.memory_space<vmem>>
        %dma_start3A_263 = arith.constant 0 : i32
        %dma_start3A_264 = arith.constant 0 : i32
        %dma_start3A_265 = tpu.memref_slice %arg14[%dma_start3A_263, %dma_start3A_264] : memref<1024x128xf32, #tpu.memory_space<vmem_shared>> -> memref<1024x128xf32, #tpu.memory_space<vmem_shared>>
        tpu.enqueue_indirect_dma source(%dma_start3A_265 : memref<1024x128xf32, #tpu.memory_space<vmem_shared>>) target(%dma_start3A_261 : memref<128x128xf32, #tpu.memory_space<vmem>>) offsets(%dma_start3A_262 : memref<128xi32, #tpu.memory_space<vmem>>) semaphore(%arg17 : memref<!tpu.dma_semaphore, #tpu.memory_space<semaphore_mem>>)
      } else {
      }
      %add3A_174 = arith.constant 1 : i32
      %add3A_175 = arith.addi %add3A_112, %add3A_174 : i32
      %gt3A_176 = arith.constant 0 : i32
      %gt3A_177 = arith.cmpi sgt, %add3A_112, %gt3A_176 : i32
      %convert_element_type3A_178 = arith.extui %gt3A_177 : i1 to i32
      %cond3A_179 = arith.constant 0 : i32
      %cond3A_180 = arith.cmpi ne, %convert_element_type3A_178, %cond3A_179 : i32
      scf.if %cond3A_180 {
        %dma_wait3A_240 = arith.constant 1 : i32
        %dma_wait3A_241 = arith.constant 0 : i32
        %dma_wait3A_242 = arith.constant 0 : i32
        %dma_wait3A_243 = tpu.memref_slice %arg13[%dma_wait3A_240, %dma_wait3A_241, %dma_wait3A_242] : memref<2x128x128xf32, #tpu.memory_space<vmem>> -> memref<1x128x128xf32, #tpu.memory_space<vmem>>
        %dma_wait3A_244 = tpu.memref_squeeze %dma_wait3A_243 : memref<1x128x128xf32, #tpu.memory_space<vmem>> -> memref<128x128xf32, #tpu.memory_space<vmem>>
        %dma_wait3A_245 = arith.constant 0 : i32
        %dma_wait3A_246 = tpu.memref_slice %arg7[%mul3A_2, %dma_wait3A_245] : memref<32768x128xf32, #tpu.memory_space<hbm>> -> memref<128x128xf32, #tpu.memory_space<hbm>>
        %dma_wait3A_247 = arith.constant 0 : i32
        %dma_wait3A_248 = tpu.memref_slice %arg7[%mul3A_2, %dma_wait3A_247] : memref<32768x128xf32, #tpu.memory_space<hbm>> -> memref<128x128xf32, #tpu.memory_space<hbm>>
        %dma_wait3A_249 = arith.constant 0 : i32
        %dma_wait3A_250 = arith.constant 0 : i32
        %dma_wait3A_251 = tpu.memref_slice %arg13[%dma_wait3A_240, %dma_wait3A_249, %dma_wait3A_250] : memref<2x128x128xf32, #tpu.memory_space<vmem>> -> memref<1x128x128xf32, #tpu.memory_space<vmem>>
        %dma_wait3A_252 = tpu.memref_squeeze %dma_wait3A_251 : memref<1x128x128xf32, #tpu.memory_space<vmem>> -> memref<128x128xf32, #tpu.memory_space<vmem>>
        tpu.wait_dma2 semaphore(%arg20 : memref<!tpu.dma_semaphore, #tpu.memory_space<semaphore_mem>>) src(%dma_wait3A_252 : memref<128x128xf32, #tpu.memory_space<vmem>>) dst(%dma_wait3A_248 : memref<128x128xf32, #tpu.memory_space<hbm>>)
      } else {
      }
      %dma_wait3A_181 = arith.constant 1 : i32
      %dma_wait3A_182 = arith.constant 0 : i32
      %dma_wait3A_183 = arith.constant 0 : i32
      %dma_wait3A_184 = tpu.memref_slice %arg11[%dma_wait3A_181, %dma_wait3A_182, %dma_wait3A_183] : memref<2x128x128xf32, #tpu.memory_space<vmem>> -> memref<1x128x128xf32, #tpu.memory_space<vmem>>
      %dma_wait3A_185 = tpu.memref_squeeze %dma_wait3A_184 : memref<1x128x128xf32, #tpu.memory_space<vmem>> -> memref<128x128xf32, #tpu.memory_space<vmem>>
      %dma_wait3A_186 = arith.constant 0 : i32
      %dma_wait3A_187 = arith.constant 0 : i32
      %dma_wait3A_188 = tpu.memref_slice %arg2[%dma_wait3A_186, %dma_wait3A_187] : memref<30000x128xf32, #tpu.memory_space<hbm>> -> memref<128x128xf32, #tpu.memory_space<hbm>>
      %dma_wait3A_189 = arith.constant 0 : i32
      %dma_wait3A_190 = arith.constant 0 : i32
      %dma_wait3A_191 = tpu.memref_slice %arg11[%dma_wait3A_181, %dma_wait3A_189, %dma_wait3A_190] : memref<2x128x128xf32, #tpu.memory_space<vmem>> -> memref<1x128x128xf32, #tpu.memory_space<vmem>>
      %dma_wait3A_192 = tpu.memref_squeeze %dma_wait3A_191 : memref<1x128x128xf32, #tpu.memory_space<vmem>> -> memref<128x128xf32, #tpu.memory_space<vmem>>
      %dma_wait3A_193 = arith.constant 0 : i32
      %dma_wait3A_194 = arith.constant 0 : i32
      %dma_wait3A_195 = tpu.memref_slice %arg2[%dma_wait3A_193, %dma_wait3A_194] : memref<30000x128xf32, #tpu.memory_space<hbm>> -> memref<128x128xf32, #tpu.memory_space<hbm>>
      tpu.wait_dma2 semaphore(%arg16 : memref<!tpu.dma_semaphore, #tpu.memory_space<semaphore_mem>>) src(%dma_wait3A_195 : memref<128x128xf32, #tpu.memory_space<hbm>>) dst(%dma_wait3A_192 : memref<128x128xf32, #tpu.memory_space<vmem>>)
      %dma_wait3A_196 = arith.constant 1 : i32
      %dma_wait3A_197 = arith.constant 0 : i32
      %dma_wait3A_198 = arith.constant 0 : i32
      %dma_wait3A_199 = tpu.memref_slice %arg12[%dma_wait3A_196, %dma_wait3A_197, %dma_wait3A_198] : memref<2x128x128xf32, #tpu.memory_space<vmem>> -> memref<1x128x128xf32, #tpu.memory_space<vmem>>
      %dma_wait3A_200 = tpu.memref_squeeze %dma_wait3A_199 : memref<1x128x128xf32, #tpu.memory_space<vmem>> -> memref<128x128xf32, #tpu.memory_space<vmem>>
      %dma_wait3A_201 = arith.constant 0 : i32
      %dma_wait3A_202 = arith.constant 0 : i32
      %dma_wait3A_203 = tpu.memref_slice %arg2[%dma_wait3A_201, %dma_wait3A_202] : memref<30000x128xf32, #tpu.memory_space<hbm>> -> memref<128x128xf32, #tpu.memory_space<hbm>>
      %dma_wait3A_204 = arith.constant 0 : i32
      %dma_wait3A_205 = arith.constant 0 : i32
      %dma_wait3A_206 = tpu.memref_slice %arg12[%dma_wait3A_196, %dma_wait3A_204, %dma_wait3A_205] : memref<2x128x128xf32, #tpu.memory_space<vmem>> -> memref<1x128x128xf32, #tpu.memory_space<vmem>>
      %dma_wait3A_207 = tpu.memref_squeeze %dma_wait3A_206 : memref<1x128x128xf32, #tpu.memory_space<vmem>> -> memref<128x128xf32, #tpu.memory_space<vmem>>
      %dma_wait3A_208 = arith.constant 0 : i32
      %dma_wait3A_209 = arith.constant 0 : i32
      %dma_wait3A_210 = tpu.memref_slice %arg2[%dma_wait3A_208, %dma_wait3A_209] : memref<30000x128xf32, #tpu.memory_space<hbm>> -> memref<128x128xf32, #tpu.memory_space<hbm>>
      tpu.wait_dma2 semaphore(%arg18 : memref<!tpu.dma_semaphore, #tpu.memory_space<semaphore_mem>>) src(%dma_wait3A_210 : memref<128x128xf32, #tpu.memory_space<hbm>>) dst(%dma_wait3A_207 : memref<128x128xf32, #tpu.memory_space<vmem>>)
      %parallel_loop3A_211 = arith.constant 0 : i32
      %parallel_loop3A_212 = arith.constant 128 : i32
      %parallel_loop3A_213 = arith.constant 1 : i32
      %parallel_loop3A_214 = arith.constant 1 : i32
      %parallel_loop3A_215 = arith.constant 1 : i32
      %parallel_loop3A_216 = arith.constant 1 : i32
      scf.for %parallel_loop3A_240 = %parallel_loop3A_211 to %parallel_loop3A_212 step %parallel_loop3A_213  : i32 {
        %parallel_loop3A_241 = arith.constant 0 : i32
        %parallel_loop3A_242 = arith.constant 0 : i32
        %parallel_loop3A_243 = tpu.memref_slice %arg11[%parallel_loop3A_214, %parallel_loop3A_241, %parallel_loop3A_242] : memref<2x128x128xf32, #tpu.memory_space<vmem>> -> memref<1x128x128xf32, #tpu.memory_space<vmem>>
        %parallel_loop3A_244 = tpu.memref_squeeze %parallel_loop3A_243 : memref<1x128x128xf32, #tpu.memory_space<vmem>> -> memref<128x128xf32, #tpu.memory_space<vmem>>
        %parallel_loop3A_245 = arith.index_cast %parallel_loop3A_240 : i32 to index
        %parallel_loop3A_246 = arith.constant 0 : index
        %parallel_loop3A_247 = tpu.vector_load %parallel_loop3A_244[%parallel_loop3A_245, %parallel_loop3A_246] {strides = array<i32>} : memref<128x128xf32, #tpu.memory_space<vmem>>, vector<16xf32>,
        %parallel_loop3A_248 = arith.constant 0 : i32
        %parallel_loop3A_249 = arith.constant 0 : i32
        %parallel_loop3A_250 = tpu.memref_slice %arg12[%parallel_loop3A_215, %parallel_loop3A_248, %parallel_loop3A_249] : memref<2x128x128xf32, #tpu.memory_space<vmem>> -> memref<1x128x128xf32, #tpu.memory_space<vmem>>
        %parallel_loop3A_251 = tpu.memref_squeeze %parallel_loop3A_250 : memref<1x128x128xf32, #tpu.memory_space<vmem>> -> memref<128x128xf32, #tpu.memory_space<vmem>>
        %parallel_loop3A_252 = arith.index_cast %parallel_loop3A_240 : i32 to index
        %parallel_loop3A_253 = arith.constant 0 : index
        %parallel_loop3A_254 = tpu.vector_load %parallel_loop3A_251[%parallel_loop3A_252, %parallel_loop3A_253] {strides = array<i32>} : memref<128x128xf32, #tpu.memory_space<vmem>>, vector<16xf32>,
        %parallel_loop3A_255 = arith.addf %parallel_loop3A_247, %parallel_loop3A_254 : vector<16xf32>
        %parallel_loop3A_256 = arith.constant 0 : i32
        %parallel_loop3A_257 = arith.constant 0 : i32
        %parallel_loop3A_258 = tpu.memref_slice %arg11[%parallel_loop3A_214, %parallel_loop3A_256, %parallel_loop3A_257] : memref<2x128x128xf32, #tpu.memory_space<vmem>> -> memref<1x128x128xf32, #tpu.memory_space<vmem>>
        %parallel_loop3A_259 = tpu.memref_squeeze %parallel_loop3A_258 : memref<1x128x128xf32, #tpu.memory_space<vmem>> -> memref<128x128xf32, #tpu.memory_space<vmem>>
        %parallel_loop3A_260 = arith.index_cast %parallel_loop3A_240 : i32 to index
        %parallel_loop3A_261 = arith.constant 16 : index
        %parallel_loop3A_262 = tpu.vector_load %parallel_loop3A_259[%parallel_loop3A_260, %parallel_loop3A_261] {strides = array<i32>} : memref<128x128xf32, #tpu.memory_space<vmem>>, vector<16xf32>,
        %parallel_loop3A_263 = arith.constant 0 : i32
        %parallel_loop3A_264 = arith.constant 0 : i32
        %parallel_loop3A_265 = tpu.memref_slice %arg12[%parallel_loop3A_215, %parallel_loop3A_263, %parallel_loop3A_264] : memref<2x128x128xf32, #tpu.memory_space<vmem>> -> memref<1x128x128xf32, #tpu.memory_space<vmem>>
        %parallel_loop3A_266 = tpu.memref_squeeze %parallel_loop3A_265 : memref<1x128x128xf32, #tpu.memory_space<vmem>> -> memref<128x128xf32, #tpu.memory_space<vmem>>
        %parallel_loop3A_267 = arith.index_cast %parallel_loop3A_240 : i32 to index
        %parallel_loop3A_268 = arith.constant 16 : index
        %parallel_loop3A_269 = tpu.vector_load %parallel_loop3A_266[%parallel_loop3A_267, %parallel_loop3A_268] {strides = array<i32>} : memref<128x128xf32, #tpu.memory_space<vmem>>, vector<16xf32>,
        %parallel_loop3A_270 = arith.addf %parallel_loop3A_262, %parallel_loop3A_269 : vector<16xf32>
        %parallel_loop3A_271 = arith.constant 0 : i32
        %parallel_loop3A_272 = arith.constant 0 : i32
        %parallel_loop3A_273 = tpu.memref_slice %arg11[%parallel_loop3A_214, %parallel_loop3A_271, %parallel_loop3A_272] : memref<2x128x128xf32, #tpu.memory_space<vmem>> -> memref<1x128x128xf32, #tpu.memory_space<vmem>>
        %parallel_loop3A_274 = tpu.memref_squeeze %parallel_loop3A_273 : memref<1x128x128xf32, #tpu.memory_space<vmem>> -> memref<128x128xf32, #tpu.memory_space<vmem>>
        %parallel_loop3A_275 = arith.index_cast %parallel_loop3A_240 : i32 to index
        %parallel_loop3A_276 = arith.constant 32 : index
        %parallel_loop3A_277 = tpu.vector_load %parallel_loop3A_274[%parallel_loop3A_275, %parallel_loop3A_276] {strides = array<i32>} : memref<128x128xf32, #tpu.memory_space<vmem>>, vector<16xf32>,
        %parallel_loop3A_278 = arith.constant 0 : i32
        %parallel_loop3A_279 = arith.constant 0 : i32
        %parallel_loop3A_280 = tpu.memref_slice %arg12[%parallel_loop3A_215, %parallel_loop3A_278, %parallel_loop3A_279] : memref<2x128x128xf32, #tpu.memory_space<vmem>> -> memref<1x128x128xf32, #tpu.memory_space<vmem>>
        %parallel_loop3A_281 = tpu.memref_squeeze %parallel_loop3A_280 : memref<1x128x128xf32, #tpu.memory_space<vmem>> -> memref<128x128xf32, #tpu.memory_space<vmem>>
        %parallel_loop3A_282 = arith.index_cast %parallel_loop3A_240 : i32 to index
        %parallel_loop3A_283 = arith.constant 32 : index
        %parallel_loop3A_284 = tpu.vector_load %parallel_loop3A_281[%parallel_loop3A_282, %parallel_loop3A_283] {strides = array<i32>} : memref<128x128xf32, #tpu.memory_space<vmem>>, vector<16xf32>,
        %parallel_loop3A_285 = arith.addf %parallel_loop3A_277, %parallel_loop3A_284 : vector<16xf32>
        %parallel_loop3A_286 = arith.constant 0 : i32
        %parallel_loop3A_287 = arith.constant 0 : i32
        %parallel_loop3A_288 = tpu.memref_slice %arg11[%parallel_loop3A_214, %parallel_loop3A_286, %parallel_loop3A_287] : memref<2x128x128xf32, #tpu.memory_space<vmem>> -> memref<1x128x128xf32, #tpu.memory_space<vmem>>
        %parallel_loop3A_289 = tpu.memref_squeeze %parallel_loop3A_288 : memref<1x128x128xf32, #tpu.memory_space<vmem>> -> memref<128x128xf32, #tpu.memory_space<vmem>>
        %parallel_loop3A_290 = arith.index_cast %parallel_loop3A_240 : i32 to index
        %parallel_loop3A_291 = arith.constant 48 : index
        %parallel_loop3A_292 = tpu.vector_load %parallel_loop3A_289[%parallel_loop3A_290, %parallel_loop3A_291] {strides = array<i32>} : memref<128x128xf32, #tpu.memory_space<vmem>>, vector<16xf32>,
        %parallel_loop3A_293 = arith.constant 0 : i32
        %parallel_loop3A_294 = arith.constant 0 : i32
        %parallel_loop3A_295 = tpu.memref_slice %arg12[%parallel_loop3A_215, %parallel_loop3A_293, %parallel_loop3A_294] : memref<2x128x128xf32, #tpu.memory_space<vmem>> -> memref<1x128x128xf32, #tpu.memory_space<vmem>>
        %parallel_loop3A_296 = tpu.memref_squeeze %parallel_loop3A_295 : memref<1x128x128xf32, #tpu.memory_space<vmem>> -> memref<128x128xf32, #tpu.memory_space<vmem>>
        %parallel_loop3A_297 = arith.index_cast %parallel_loop3A_240 : i32 to index
        %parallel_loop3A_298 = arith.constant 48 : index
        %parallel_loop3A_299 = tpu.vector_load %parallel_loop3A_296[%parallel_loop3A_297, %parallel_loop3A_298] {strides = array<i32>} : memref<128x128xf32, #tpu.memory_space<vmem>>, vector<16xf32>,
        %parallel_loop3A_300 = arith.addf %parallel_loop3A_292, %parallel_loop3A_299 : vector<16xf32>
        %parallel_loop3A_301 = arith.constant 0 : i32
        %parallel_loop3A_302 = arith.constant 0 : i32
        %parallel_loop3A_303 = tpu.memref_slice %arg11[%parallel_loop3A_214, %parallel_loop3A_301, %parallel_loop3A_302] : memref<2x128x128xf32, #tpu.memory_space<vmem>> -> memref<1x128x128xf32, #tpu.memory_space<vmem>>
        %parallel_loop3A_304 = tpu.memref_squeeze %parallel_loop3A_303 : memref<1x128x128xf32, #tpu.memory_space<vmem>> -> memref<128x128xf32, #tpu.memory_space<vmem>>
        %parallel_loop3A_305 = arith.index_cast %parallel_loop3A_240 : i32 to index
        %parallel_loop3A_306 = arith.constant 64 : index
        %parallel_loop3A_307 = tpu.vector_load %parallel_loop3A_304[%parallel_loop3A_305, %parallel_loop3A_306] {strides = array<i32>} : memref<128x128xf32, #tpu.memory_space<vmem>>, vector<16xf32>,
        %parallel_loop3A_308 = arith.constant 0 : i32
        %parallel_loop3A_309 = arith.constant 0 : i32
        %parallel_loop3A_310 = tpu.memref_slice %arg12[%parallel_loop3A_215, %parallel_loop3A_308, %parallel_loop3A_309] : memref<2x128x128xf32, #tpu.memory_space<vmem>> -> memref<1x128x128xf32, #tpu.memory_space<vmem>>
        %parallel_loop3A_311 = tpu.memref_squeeze %parallel_loop3A_310 : memref<1x128x128xf32, #tpu.memory_space<vmem>> -> memref<128x128xf32, #tpu.memory_space<vmem>>
        %parallel_loop3A_312 = arith.index_cast %parallel_loop3A_240 : i32 to index
        %parallel_loop3A_313 = arith.constant 64 : index
        %parallel_loop3A_314 = tpu.vector_load %parallel_loop3A_311[%parallel_loop3A_312, %parallel_loop3A_313] {strides = array<i32>} : memref<128x128xf32, #tpu.memory_space<vmem>>, vector<16xf32>,
        %parallel_loop3A_315 = arith.addf %parallel_loop3A_307, %parallel_loop3A_314 : vector<16xf32>
        %parallel_loop3A_316 = arith.constant 0 : i32
        %parallel_loop3A_317 = arith.constant 0 : i32
        %parallel_loop3A_318 = tpu.memref_slice %arg11[%parallel_loop3A_214, %parallel_loop3A_316, %parallel_loop3A_317] : memref<2x128x128xf32, #tpu.memory_space<vmem>> -> memref<1x128x128xf32, #tpu.memory_space<vmem>>
        %parallel_loop3A_319 = tpu.memref_squeeze %parallel_loop3A_318 : memref<1x128x128xf32, #tpu.memory_space<vmem>> -> memref<128x128xf32, #tpu.memory_space<vmem>>
        %parallel_loop3A_320 = arith.index_cast %parallel_loop3A_240 : i32 to index
        %parallel_loop3A_321 = arith.constant 80 : index
        %parallel_loop3A_322 = tpu.vector_load %parallel_loop3A_319[%parallel_loop3A_320, %parallel_loop3A_321] {strides = array<i32>} : memref<128x128xf32, #tpu.memory_space<vmem>>, vector<16xf32>,
        %parallel_loop3A_323 = arith.constant 0 : i32
        %parallel_loop3A_324 = arith.constant 0 : i32
        %parallel_loop3A_325 = tpu.memref_slice %arg12[%parallel_loop3A_215, %parallel_loop3A_323, %parallel_loop3A_324] : memref<2x128x128xf32, #tpu.memory_space<vmem>> -> memref<1x128x128xf32, #tpu.memory_space<vmem>>
        %parallel_loop3A_326 = tpu.memref_squeeze %parallel_loop3A_325 : memref<1x128x128xf32, #tpu.memory_space<vmem>> -> memref<128x128xf32, #tpu.memory_space<vmem>>
        %parallel_loop3A_327 = arith.index_cast %parallel_loop3A_240 : i32 to index
        %parallel_loop3A_328 = arith.constant 80 : index
        %parallel_loop3A_329 = tpu.vector_load %parallel_loop3A_326[%parallel_loop3A_327, %parallel_loop3A_328] {strides = array<i32>} : memref<128x128xf32, #tpu.memory_space<vmem>>, vector<16xf32>,
        %parallel_loop3A_330 = arith.addf %parallel_loop3A_322, %parallel_loop3A_329 : vector<16xf32>
        %parallel_loop3A_331 = arith.constant 0 : i32
        %parallel_loop3A_332 = arith.constant 0 : i32
        %parallel_loop3A_333 = tpu.memref_slice %arg11[%parallel_loop3A_214, %parallel_loop3A_331, %parallel_loop3A_332] : memref<2x128x128xf32, #tpu.memory_space<vmem>> -> memref<1x128x128xf32, #tpu.memory_space<vmem>>
        %parallel_loop3A_334 = tpu.memref_squeeze %parallel_loop3A_333 : memref<1x128x128xf32, #tpu.memory_space<vmem>> -> memref<128x128xf32, #tpu.memory_space<vmem>>
        %parallel_loop3A_335 = arith.index_cast %parallel_loop3A_240 : i32 to index
        %parallel_loop3A_336 = arith.constant 96 : index
        %parallel_loop3A_337 = tpu.vector_load %parallel_loop3A_334[%parallel_loop3A_335, %parallel_loop3A_336] {strides = array<i32>} : memref<128x128xf32, #tpu.memory_space<vmem>>, vector<16xf32>,
        %parallel_loop3A_338 = arith.constant 0 : i32
        %parallel_loop3A_339 = arith.constant 0 : i32
        %parallel_loop3A_340 = tpu.memref_slice %arg12[%parallel_loop3A_215, %parallel_loop3A_338, %parallel_loop3A_339] : memref<2x128x128xf32, #tpu.memory_space<vmem>> -> memref<1x128x128xf32, #tpu.memory_space<vmem>>
        %parallel_loop3A_341 = tpu.memref_squeeze %parallel_loop3A_340 : memref<1x128x128xf32, #tpu.memory_space<vmem>> -> memref<128x128xf32, #tpu.memory_space<vmem>>
        %parallel_loop3A_342 = arith.index_cast %parallel_loop3A_240 : i32 to index
        %parallel_loop3A_343 = arith.constant 96 : index
        %parallel_loop3A_344 = tpu.vector_load %parallel_loop3A_341[%parallel_loop3A_342, %parallel_loop3A_343] {strides = array<i32>} : memref<128x128xf32, #tpu.memory_space<vmem>>, vector<16xf32>,
        %parallel_loop3A_345 = arith.addf %parallel_loop3A_337, %parallel_loop3A_344 : vector<16xf32>
        %parallel_loop3A_346 = arith.constant 0 : i32
        %parallel_loop3A_347 = arith.constant 0 : i32
        %parallel_loop3A_348 = tpu.memref_slice %arg11[%parallel_loop3A_214, %parallel_loop3A_346, %parallel_loop3A_347] : memref<2x128x128xf32, #tpu.memory_space<vmem>> -> memref<1x128x128xf32, #tpu.memory_space<vmem>>
        %parallel_loop3A_349 = tpu.memref_squeeze %parallel_loop3A_348 : memref<1x128x128xf32, #tpu.memory_space<vmem>> -> memref<128x128xf32, #tpu.memory_space<vmem>>
        %parallel_loop3A_350 = arith.index_cast %parallel_loop3A_240 : i32 to index
        %parallel_loop3A_351 = arith.constant 112 : index
        %parallel_loop3A_352 = tpu.vector_load %parallel_loop3A_349[%parallel_loop3A_350, %parallel_loop3A_351] {strides = array<i32>} : memref<128x128xf32, #tpu.memory_space<vmem>>, vector<16xf32>,
        %parallel_loop3A_353 = arith.constant 0 : i32
        %parallel_loop3A_354 = arith.constant 0 : i32
        %parallel_loop3A_355 = tpu.memref_slice %arg12[%parallel_loop3A_215, %parallel_loop3A_353, %parallel_loop3A_354] : memref<2x128x128xf32, #tpu.memory_space<vmem>> -> memref<1x128x128xf32, #tpu.memory_space<vmem>>
        %parallel_loop3A_356 = tpu.memref_squeeze %parallel_loop3A_355 : memref<1x128x128xf32, #tpu.memory_space<vmem>> -> memref<128x128xf32, #tpu.memory_space<vmem>>
        %parallel_loop3A_357 = arith.index_cast %parallel_loop3A_240 : i32 to index
        %parallel_loop3A_358 = arith.constant 112 : index
        %parallel_loop3A_359 = tpu.vector_load %parallel_loop3A_356[%parallel_loop3A_357, %parallel_loop3A_358] {strides = array<i32>} : memref<128x128xf32, #tpu.memory_space<vmem>>, vector<16xf32>,
        %parallel_loop3A_360 = arith.addf %parallel_loop3A_352, %parallel_loop3A_359 : vector<16xf32>
        %parallel_loop3A_361 = arith.addf %parallel_loop3A_255, %parallel_loop3A_270 : vector<16xf32>
        %parallel_loop3A_362 = arith.addf %parallel_loop3A_285, %parallel_loop3A_300 : vector<16xf32>
        %parallel_loop3A_363 = arith.addf %parallel_loop3A_361, %parallel_loop3A_362 : vector<16xf32>
        %parallel_loop3A_364 = arith.addf %parallel_loop3A_315, %parallel_loop3A_330 : vector<16xf32>
        %parallel_loop3A_365 = arith.addf %parallel_loop3A_345, %parallel_loop3A_360 : vector<16xf32>
        %parallel_loop3A_366 = arith.addf %parallel_loop3A_364, %parallel_loop3A_365 : vector<16xf32>
        %parallel_loop3A_367 = arith.addf %parallel_loop3A_363, %parallel_loop3A_366 : vector<16xf32>
        %parallel_loop3A_368 = arith.constant true
        %parallel_loop3A_369 = vector.broadcast %parallel_loop3A_368 : i1 to vector<16xi1>
        %parallel_loop3A_370 = tpu.scan <sum>, %parallel_loop3A_367 masked %parallel_loop3A_369 : vector<16xf32>, vector<16xi1> -> vector<16xf32>
        %parallel_loop3A_371 = vector.extract %parallel_loop3A_370[15] : f32 from vector<16xf32>
        %parallel_loop3A_372 = arith.mulf %parallel_loop3A_255, %parallel_loop3A_255 : vector<16xf32>
        %parallel_loop3A_373 = arith.mulf %parallel_loop3A_270, %parallel_loop3A_270 : vector<16xf32>
        %parallel_loop3A_374 = arith.addf %parallel_loop3A_372, %parallel_loop3A_373 : vector<16xf32>
        %parallel_loop3A_375 = arith.mulf %parallel_loop3A_285, %parallel_loop3A_285 : vector<16xf32>
        %parallel_loop3A_376 = arith.mulf %parallel_loop3A_300, %parallel_loop3A_300 : vector<16xf32>
        %parallel_loop3A_377 = arith.addf %parallel_loop3A_375, %parallel_loop3A_376 : vector<16xf32>
        %parallel_loop3A_378 = arith.addf %parallel_loop3A_374, %parallel_loop3A_377 : vector<16xf32>
        %parallel_loop3A_379 = arith.mulf %parallel_loop3A_315, %parallel_loop3A_315 : vector<16xf32>
        %parallel_loop3A_380 = arith.mulf %parallel_loop3A_330, %parallel_loop3A_330 : vector<16xf32>
        %parallel_loop3A_381 = arith.addf %parallel_loop3A_379, %parallel_loop3A_380 : vector<16xf32>
        %parallel_loop3A_382 = arith.mulf %parallel_loop3A_345, %parallel_loop3A_345 : vector<16xf32>
        %parallel_loop3A_383 = arith.mulf %parallel_loop3A_360, %parallel_loop3A_360 : vector<16xf32>
        %parallel_loop3A_384 = arith.addf %parallel_loop3A_382, %parallel_loop3A_383 : vector<16xf32>
        %parallel_loop3A_385 = arith.addf %parallel_loop3A_381, %parallel_loop3A_384 : vector<16xf32>
        %parallel_loop3A_386 = arith.addf %parallel_loop3A_378, %parallel_loop3A_385 : vector<16xf32>
        %parallel_loop3A_387 = arith.constant true
        %parallel_loop3A_388 = vector.broadcast %parallel_loop3A_387 : i1 to vector<16xi1>
        %parallel_loop3A_389 = tpu.scan <sum>, %parallel_loop3A_386 masked %parallel_loop3A_388 : vector<16xf32>, vector<16xi1> -> vector<16xf32>
        %parallel_loop3A_390 = vector.extract %parallel_loop3A_389[15] : f32 from vector<16xf32>
        %parallel_loop3A_391 = arith.constant 7.812500e-03 : f32
        %parallel_loop3A_392 = arith.mulf %parallel_loop3A_371, %parallel_loop3A_391 : f32
        %parallel_loop3A_393 = arith.constant 7.812500e-03 : f32
        %parallel_loop3A_394 = arith.mulf %parallel_loop3A_390, %parallel_loop3A_393 : f32
        %parallel_loop3A_395 = arith.mulf %parallel_loop3A_392, %parallel_loop3A_392 : f32
        %parallel_loop3A_396 = arith.subf %parallel_loop3A_394, %parallel_loop3A_395 : f32
        %parallel_loop3A_397 = arith.constant 9.99999996E-13 : f32
        %parallel_loop3A_398 = arith.addf %parallel_loop3A_396, %parallel_loop3A_397 : f32
        %parallel_loop3A_399 = arith.bitcast %parallel_loop3A_398 : f32 to i32
        %parallel_loop3A_400 = arith.constant 1 : i32
        %parallel_loop3A_401 = arith.shrui %parallel_loop3A_399, %parallel_loop3A_400 : i32
        %parallel_loop3A_402 = arith.constant 1597463007 : i32
        %parallel_loop3A_403 = arith.subi %parallel_loop3A_402, %parallel_loop3A_401 : i32
        %parallel_loop3A_404 = arith.bitcast %parallel_loop3A_403 : i32 to f32
        %parallel_loop3A_405 = arith.constant 5.000000e-01 : f32
        %parallel_loop3A_406 = arith.mulf %parallel_loop3A_405, %parallel_loop3A_398 : f32
        %parallel_loop3A_407 = arith.mulf %parallel_loop3A_406, %parallel_loop3A_404 : f32
        %parallel_loop3A_408 = arith.mulf %parallel_loop3A_407, %parallel_loop3A_404 : f32
        %parallel_loop3A_409 = arith.constant 1.500000e+00 : f32
        %parallel_loop3A_410 = arith.subf %parallel_loop3A_409, %parallel_loop3A_408 : f32
        %parallel_loop3A_411 = arith.mulf %parallel_loop3A_404, %parallel_loop3A_410 : f32
        %parallel_loop3A_412 = arith.constant 5.000000e-01 : f32
        %parallel_loop3A_413 = arith.mulf %parallel_loop3A_412, %parallel_loop3A_398 : f32
        %parallel_loop3A_414 = arith.mulf %parallel_loop3A_413, %parallel_loop3A_411 : f32
        %parallel_loop3A_415 = arith.mulf %parallel_loop3A_414, %parallel_loop3A_411 : f32
        %parallel_loop3A_416 = arith.constant 1.500000e+00 : f32
        %parallel_loop3A_417 = arith.subf %parallel_loop3A_416, %parallel_loop3A_415 : f32
        %parallel_loop3A_418 = arith.mulf %parallel_loop3A_411, %parallel_loop3A_417 : f32
        %parallel_loop3A_419 = arith.constant 5.000000e-01 : f32
        %parallel_loop3A_420 = arith.mulf %parallel_loop3A_419, %parallel_loop3A_398 : f32
        %parallel_loop3A_421 = arith.mulf %parallel_loop3A_420, %parallel_loop3A_418 : f32
        %parallel_loop3A_422 = arith.mulf %parallel_loop3A_421, %parallel_loop3A_418 : f32
        %parallel_loop3A_423 = arith.constant 1.500000e+00 : f32
        %parallel_loop3A_424 = arith.subf %parallel_loop3A_423, %parallel_loop3A_422 : f32
        %parallel_loop3A_425 = arith.mulf %parallel_loop3A_418, %parallel_loop3A_424 : f32
        %parallel_loop3A_426 = vector.broadcast %parallel_loop3A_392 : f32 to vector<16xf32>
        %parallel_loop3A_427 = vector.broadcast %parallel_loop3A_425 : f32 to vector<16xf32>
        %parallel_loop3A_428 = arith.subf %parallel_loop3A_255, %parallel_loop3A_426 : vector<16xf32>
        %parallel_loop3A_429 = arith.mulf %parallel_loop3A_428, %parallel_loop3A_427 : vector<16xf32>
        %parallel_loop3A_430 = arith.mulf %parallel_loop3A_429, %get3A_48 : vector<16xf32>
        %parallel_loop3A_431 = arith.addf %parallel_loop3A_430, %get3A_50 : vector<16xf32>
        %parallel_loop3A_432 = arith.constant 0 : i32
        %parallel_loop3A_433 = arith.constant 0 : i32
        %parallel_loop3A_434 = tpu.memref_slice %arg13[%parallel_loop3A_216, %parallel_loop3A_432, %parallel_loop3A_433] : memref<2x128x128xf32, #tpu.memory_space<vmem>> -> memref<1x128x128xf32, #tpu.memory_space<vmem>>
        %parallel_loop3A_435 = tpu.memref_squeeze %parallel_loop3A_434 : memref<1x128x128xf32, #tpu.memory_space<vmem>> -> memref<128x128xf32, #tpu.memory_space<vmem>>
        %parallel_loop3A_436 = arith.index_cast %parallel_loop3A_240 : i32 to index
        %parallel_loop3A_437 = arith.constant 0 : index
        %parallel_loop3A_438 = tpu.vector_load %parallel_loop3A_435[%parallel_loop3A_436, %parallel_loop3A_437] {strides = array<i32>} : memref<128x128xf32, #tpu.memory_space<vmem>>, vector<16xf32>,
        tpu.vector_store %parallel_loop3A_435[%parallel_loop3A_436, %parallel_loop3A_437], %parallel_loop3A_431 {strides = array<i32>} : memref<128x128xf32, #tpu.memory_space<vmem>>, vector<16xf32>,
        %parallel_loop3A_439 = arith.subf %parallel_loop3A_270, %parallel_loop3A_426 : vector<16xf32>
        %parallel_loop3A_440 = arith.mulf %parallel_loop3A_439, %parallel_loop3A_427 : vector<16xf32>
        %parallel_loop3A_441 = arith.mulf %parallel_loop3A_440, %get3A_52 : vector<16xf32>
        %parallel_loop3A_442 = arith.addf %parallel_loop3A_441, %get3A_54 : vector<16xf32>
        %parallel_loop3A_443 = arith.constant 0 : i32
        %parallel_loop3A_444 = arith.constant 0 : i32
        %parallel_loop3A_445 = tpu.memref_slice %arg13[%parallel_loop3A_216, %parallel_loop3A_443, %parallel_loop3A_444] : memref<2x128x128xf32, #tpu.memory_space<vmem>> -> memref<1x128x128xf32, #tpu.memory_space<vmem>>
        %parallel_loop3A_446 = tpu.memref_squeeze %parallel_loop3A_445 : memref<1x128x128xf32, #tpu.memory_space<vmem>> -> memref<128x128xf32, #tpu.memory_space<vmem>>
        %parallel_loop3A_447 = arith.index_cast %parallel_loop3A_240 : i32 to index
        %parallel_loop3A_448 = arith.constant 16 : index
        %parallel_loop3A_449 = tpu.vector_load %parallel_loop3A_446[%parallel_loop3A_447, %parallel_loop3A_448] {strides = array<i32>} : memref<128x128xf32, #tpu.memory_space<vmem>>, vector<16xf32>,
        tpu.vector_store %parallel_loop3A_446[%parallel_loop3A_447, %parallel_loop3A_448], %parallel_loop3A_442 {strides = array<i32>} : memref<128x128xf32, #tpu.memory_space<vmem>>, vector<16xf32>,
        %parallel_loop3A_450 = arith.subf %parallel_loop3A_285, %parallel_loop3A_426 : vector<16xf32>
        %parallel_loop3A_451 = arith.mulf %parallel_loop3A_450, %parallel_loop3A_427 : vector<16xf32>
        %parallel_loop3A_452 = arith.mulf %parallel_loop3A_451, %get3A_56 : vector<16xf32>
        %parallel_loop3A_453 = arith.addf %parallel_loop3A_452, %get3A_58 : vector<16xf32>
        %parallel_loop3A_454 = arith.constant 0 : i32
        %parallel_loop3A_455 = arith.constant 0 : i32
        %parallel_loop3A_456 = tpu.memref_slice %arg13[%parallel_loop3A_216, %parallel_loop3A_454, %parallel_loop3A_455] : memref<2x128x128xf32, #tpu.memory_space<vmem>> -> memref<1x128x128xf32, #tpu.memory_space<vmem>>
        %parallel_loop3A_457 = tpu.memref_squeeze %parallel_loop3A_456 : memref<1x128x128xf32, #tpu.memory_space<vmem>> -> memref<128x128xf32, #tpu.memory_space<vmem>>
        %parallel_loop3A_458 = arith.index_cast %parallel_loop3A_240 : i32 to index
        %parallel_loop3A_459 = arith.constant 32 : index
        %parallel_loop3A_460 = tpu.vector_load %parallel_loop3A_457[%parallel_loop3A_458, %parallel_loop3A_459] {strides = array<i32>} : memref<128x128xf32, #tpu.memory_space<vmem>>, vector<16xf32>,
        tpu.vector_store %parallel_loop3A_457[%parallel_loop3A_458, %parallel_loop3A_459], %parallel_loop3A_453 {strides = array<i32>} : memref<128x128xf32, #tpu.memory_space<vmem>>, vector<16xf32>,
        %parallel_loop3A_461 = arith.subf %parallel_loop3A_300, %parallel_loop3A_426 : vector<16xf32>
        %parallel_loop3A_462 = arith.mulf %parallel_loop3A_461, %parallel_loop3A_427 : vector<16xf32>
        %parallel_loop3A_463 = arith.mulf %parallel_loop3A_462, %get3A_60 : vector<16xf32>
        %parallel_loop3A_464 = arith.addf %parallel_loop3A_463, %get3A_62 : vector<16xf32>
        %parallel_loop3A_465 = arith.constant 0 : i32
        %parallel_loop3A_466 = arith.constant 0 : i32
        %parallel_loop3A_467 = tpu.memref_slice %arg13[%parallel_loop3A_216, %parallel_loop3A_465, %parallel_loop3A_466] : memref<2x128x128xf32, #tpu.memory_space<vmem>> -> memref<1x128x128xf32, #tpu.memory_space<vmem>>
        %parallel_loop3A_468 = tpu.memref_squeeze %parallel_loop3A_467 : memref<1x128x128xf32, #tpu.memory_space<vmem>> -> memref<128x128xf32, #tpu.memory_space<vmem>>
        %parallel_loop3A_469 = arith.index_cast %parallel_loop3A_240 : i32 to index
        %parallel_loop3A_470 = arith.constant 48 : index
        %parallel_loop3A_471 = tpu.vector_load %parallel_loop3A_468[%parallel_loop3A_469, %parallel_loop3A_470] {strides = array<i32>} : memref<128x128xf32, #tpu.memory_space<vmem>>, vector<16xf32>,
        tpu.vector_store %parallel_loop3A_468[%parallel_loop3A_469, %parallel_loop3A_470], %parallel_loop3A_464 {strides = array<i32>} : memref<128x128xf32, #tpu.memory_space<vmem>>, vector<16xf32>,
        %parallel_loop3A_472 = arith.subf %parallel_loop3A_315, %parallel_loop3A_426 : vector<16xf32>
        %parallel_loop3A_473 = arith.mulf %parallel_loop3A_472, %parallel_loop3A_427 : vector<16xf32>
        %parallel_loop3A_474 = arith.mulf %parallel_loop3A_473, %get3A_64 : vector<16xf32>
        %parallel_loop3A_475 = arith.addf %parallel_loop3A_474, %get3A_66 : vector<16xf32>
        %parallel_loop3A_476 = arith.constant 0 : i32
        %parallel_loop3A_477 = arith.constant 0 : i32
        %parallel_loop3A_478 = tpu.memref_slice %arg13[%parallel_loop3A_216, %parallel_loop3A_476, %parallel_loop3A_477] : memref<2x128x128xf32, #tpu.memory_space<vmem>> -> memref<1x128x128xf32, #tpu.memory_space<vmem>>
        %parallel_loop3A_479 = tpu.memref_squeeze %parallel_loop3A_478 : memref<1x128x128xf32, #tpu.memory_space<vmem>> -> memref<128x128xf32, #tpu.memory_space<vmem>>
        %parallel_loop3A_480 = arith.index_cast %parallel_loop3A_240 : i32 to index
        %parallel_loop3A_481 = arith.constant 64 : index
        %parallel_loop3A_482 = tpu.vector_load %parallel_loop3A_479[%parallel_loop3A_480, %parallel_loop3A_481] {strides = array<i32>} : memref<128x128xf32, #tpu.memory_space<vmem>>, vector<16xf32>,
        tpu.vector_store %parallel_loop3A_479[%parallel_loop3A_480, %parallel_loop3A_481], %parallel_loop3A_475 {strides = array<i32>} : memref<128x128xf32, #tpu.memory_space<vmem>>, vector<16xf32>,
        %parallel_loop3A_483 = arith.subf %parallel_loop3A_330, %parallel_loop3A_426 : vector<16xf32>
        %parallel_loop3A_484 = arith.mulf %parallel_loop3A_483, %parallel_loop3A_427 : vector<16xf32>
        %parallel_loop3A_485 = arith.mulf %parallel_loop3A_484, %get3A_68 : vector<16xf32>
        %parallel_loop3A_486 = arith.addf %parallel_loop3A_485, %get3A_70 : vector<16xf32>
        %parallel_loop3A_487 = arith.constant 0 : i32
        %parallel_loop3A_488 = arith.constant 0 : i32
        %parallel_loop3A_489 = tpu.memref_slice %arg13[%parallel_loop3A_216, %parallel_loop3A_487, %parallel_loop3A_488] : memref<2x128x128xf32, #tpu.memory_space<vmem>> -> memref<1x128x128xf32, #tpu.memory_space<vmem>>
        %parallel_loop3A_490 = tpu.memref_squeeze %parallel_loop3A_489 : memref<1x128x128xf32, #tpu.memory_space<vmem>> -> memref<128x128xf32, #tpu.memory_space<vmem>>
        %parallel_loop3A_491 = arith.index_cast %parallel_loop3A_240 : i32 to index
        %parallel_loop3A_492 = arith.constant 80 : index
        %parallel_loop3A_493 = tpu.vector_load %parallel_loop3A_490[%parallel_loop3A_491, %parallel_loop3A_492] {strides = array<i32>} : memref<128x128xf32, #tpu.memory_space<vmem>>, vector<16xf32>,
        tpu.vector_store %parallel_loop3A_490[%parallel_loop3A_491, %parallel_loop3A_492], %parallel_loop3A_486 {strides = array<i32>} : memref<128x128xf32, #tpu.memory_space<vmem>>, vector<16xf32>,
        %parallel_loop3A_494 = arith.subf %parallel_loop3A_345, %parallel_loop3A_426 : vector<16xf32>
        %parallel_loop3A_495 = arith.mulf %parallel_loop3A_494, %parallel_loop3A_427 : vector<16xf32>
        %parallel_loop3A_496 = arith.mulf %parallel_loop3A_495, %get3A_72 : vector<16xf32>
        %parallel_loop3A_497 = arith.addf %parallel_loop3A_496, %get3A_74 : vector<16xf32>
        %parallel_loop3A_498 = arith.constant 0 : i32
        %parallel_loop3A_499 = arith.constant 0 : i32
        %parallel_loop3A_500 = tpu.memref_slice %arg13[%parallel_loop3A_216, %parallel_loop3A_498, %parallel_loop3A_499] : memref<2x128x128xf32, #tpu.memory_space<vmem>> -> memref<1x128x128xf32, #tpu.memory_space<vmem>>
        %parallel_loop3A_501 = tpu.memref_squeeze %parallel_loop3A_500 : memref<1x128x128xf32, #tpu.memory_space<vmem>> -> memref<128x128xf32, #tpu.memory_space<vmem>>
        %parallel_loop3A_502 = arith.index_cast %parallel_loop3A_240 : i32 to index
        %parallel_loop3A_503 = arith.constant 96 : index
        %parallel_loop3A_504 = tpu.vector_load %parallel_loop3A_501[%parallel_loop3A_502, %parallel_loop3A_503] {strides = array<i32>} : memref<128x128xf32, #tpu.memory_space<vmem>>, vector<16xf32>,
        tpu.vector_store %parallel_loop3A_501[%parallel_loop3A_502, %parallel_loop3A_503], %parallel_loop3A_497 {strides = array<i32>} : memref<128x128xf32, #tpu.memory_space<vmem>>, vector<16xf32>,
        %parallel_loop3A_505 = arith.subf %parallel_loop3A_360, %parallel_loop3A_426 : vector<16xf32>
        %parallel_loop3A_506 = arith.mulf %parallel_loop3A_505, %parallel_loop3A_427 : vector<16xf32>
        %parallel_loop3A_507 = arith.mulf %parallel_loop3A_506, %get3A_76 : vector<16xf32>
        %parallel_loop3A_508 = arith.addf %parallel_loop3A_507, %get3A_78 : vector<16xf32>
        %parallel_loop3A_509 = arith.constant 0 : i32
        %parallel_loop3A_510 = arith.constant 0 : i32
        %parallel_loop3A_511 = tpu.memref_slice %arg13[%parallel_loop3A_216, %parallel_loop3A_509, %parallel_loop3A_510] : memref<2x128x128xf32, #tpu.memory_space<vmem>> -> memref<1x128x128xf32, #tpu.memory_space<vmem>>
        %parallel_loop3A_512 = tpu.memref_squeeze %parallel_loop3A_511 : memref<1x128x128xf32, #tpu.memory_space<vmem>> -> memref<128x128xf32, #tpu.memory_space<vmem>>
        %parallel_loop3A_513 = arith.index_cast %parallel_loop3A_240 : i32 to index
        %parallel_loop3A_514 = arith.constant 112 : index
        %parallel_loop3A_515 = tpu.vector_load %parallel_loop3A_512[%parallel_loop3A_513, %parallel_loop3A_514] {strides = array<i32>} : memref<128x128xf32, #tpu.memory_space<vmem>>, vector<16xf32>,
        tpu.vector_store %parallel_loop3A_512[%parallel_loop3A_513, %parallel_loop3A_514], %parallel_loop3A_508 {strides = array<i32>} : memref<128x128xf32, #tpu.memory_space<vmem>>, vector<16xf32>,
      } {sc.loop_unroll_factor = 2 : i64, sc.parallel_access}
      %mul3A_217 = arith.constant 128 : i32
      %mul3A_218 = arith.muli %add3A_175, %mul3A_217 : i32
      %add3A_219 = arith.addi %mul3A_2, %mul3A_218 : i32
      %dma_start3A_220 = arith.constant 1 : i32
      %dma_start3A_221 = arith.constant 0 : i32
      %dma_start3A_222 = arith.constant 0 : i32
      %dma_start3A_223 = tpu.memref_slice %arg13[%dma_start3A_220, %dma_start3A_221, %dma_start3A_222] : memref<2x128x128xf32, #tpu.memory_space<vmem>> -> memref<1x128x128xf32, #tpu.memory_space<vmem>>
      %dma_start3A_224 = tpu.memref_squeeze %dma_start3A_223 : memref<1x128x128xf32, #tpu.memory_space<vmem>> -> memref<128x128xf32, #tpu.memory_space<vmem>>
      %dma_start3A_225 = arith.constant 0 : i32
      %dma_start3A_226 = tpu.memref_slice %arg7[%add3A_219, %dma_start3A_225] : memref<32768x128xf32, #tpu.memory_space<hbm>> -> memref<128x128xf32, #tpu.memory_space<hbm>>
      %dma_start3A_227 = arith.constant 0 : i32
      %dma_start3A_228 = tpu.memref_slice %arg7[%add3A_219, %dma_start3A_227] : memref<32768x128xf32, #tpu.memory_space<hbm>> -> memref<128x128xf32, #tpu.memory_space<hbm>>
      %dma_start3A_229 = arith.constant 0 : i32
      %dma_start3A_230 = arith.constant 0 : i32
      %dma_start3A_231 = tpu.memref_slice %arg13[%dma_start3A_220, %dma_start3A_229, %dma_start3A_230] : memref<2x128x128xf32, #tpu.memory_space<vmem>> -> memref<1x128x128xf32, #tpu.memory_space<vmem>>
      %dma_start3A_232 = tpu.memref_squeeze %dma_start3A_231 : memref<1x128x128xf32, #tpu.memory_space<vmem>> -> memref<128x128xf32, #tpu.memory_space<vmem>>
      tpu.enqueue_dma source(%dma_start3A_232 : memref<128x128xf32, #tpu.memory_space<vmem>>) target(%dma_start3A_228 : memref<128x128xf32, #tpu.memory_space<hbm>>) target_semaphore(%arg20 : memref<!tpu.dma_semaphore, #tpu.memory_space<semaphore_mem>>)
      %add3A_233 = arith.constant 2 : i32
      %add3A_234 = arith.addi %add3A_175, %add3A_233 : i32
      %lt3A_235 = arith.constant 8 : i32
      %lt3A_236 = arith.cmpi slt, %add3A_234, %lt3A_235 : i32
      %convert_element_type3A_237 = arith.extui %lt3A_236 : i1 to i32
      %cond3A_238 = arith.constant 0 : i32
      %cond3A_239 = arith.cmpi ne, %convert_element_type3A_237, %cond3A_238 : i32
      scf.if %cond3A_239 {
        %add3A_240 = arith.constant 2 : i32
        %add3A_241 = arith.addi %add3A_175, %add3A_240 : i32
        %mul3A_242 = arith.constant 128 : i32
        %mul3A_243 = arith.muli %add3A_241, %mul3A_242 : i32
        %dma_start3A_244 = arith.constant 1 : i32
        %dma_start3A_245 = arith.constant 0 : i32
        %dma_start3A_246 = arith.constant 0 : i32
        %dma_start3A_247 = tpu.memref_slice %arg11[%dma_start3A_244, %dma_start3A_245, %dma_start3A_246] : memref<2x128x128xf32, #tpu.memory_space<vmem>> -> memref<1x128x128xf32, #tpu.memory_space<vmem>>
        %dma_start3A_248 = tpu.memref_squeeze %dma_start3A_247 : memref<1x128x128xf32, #tpu.memory_space<vmem>> -> memref<128x128xf32, #tpu.memory_space<vmem>>
        %dma_start3A_249 = tpu.memref_slice %arg8[%mul3A_243] : memref<2048xi32, #tpu.memory_space<vmem>> -> memref<128xi32, #tpu.memory_space<vmem>>
        %dma_start3A_250 = arith.constant 0 : i32
        %dma_start3A_251 = arith.constant 0 : i32
        %dma_start3A_252 = tpu.memref_slice %arg2[%dma_start3A_250, %dma_start3A_251] : memref<30000x128xf32, #tpu.memory_space<hbm>> -> memref<30000x128xf32, #tpu.memory_space<hbm>>
        tpu.enqueue_indirect_dma source(%dma_start3A_252 : memref<30000x128xf32, #tpu.memory_space<hbm>>) target(%dma_start3A_248 : memref<128x128xf32, #tpu.memory_space<vmem>>) offsets(%dma_start3A_249 : memref<128xi32, #tpu.memory_space<vmem>>) semaphore(%arg16 : memref<!tpu.dma_semaphore, #tpu.memory_space<semaphore_mem>>)
        %mul3A_253 = arith.constant 128 : i32
        %mul3A_254 = arith.muli %add3A_241, %mul3A_253 : i32
        %add3A_255 = arith.constant 1024 : i32
        %add3A_256 = arith.addi %add3A_255, %mul3A_254 : i32
        %dma_start3A_257 = arith.constant 1 : i32
        %dma_start3A_258 = arith.constant 0 : i32
        %dma_start3A_259 = arith.constant 0 : i32
        %dma_start3A_260 = tpu.memref_slice %arg12[%dma_start3A_257, %dma_start3A_258, %dma_start3A_259] : memref<2x128x128xf32, #tpu.memory_space<vmem>> -> memref<1x128x128xf32, #tpu.memory_space<vmem>>
        %dma_start3A_261 = tpu.memref_squeeze %dma_start3A_260 : memref<1x128x128xf32, #tpu.memory_space<vmem>> -> memref<128x128xf32, #tpu.memory_space<vmem>>
        %dma_start3A_262 = tpu.memref_slice %arg8[%add3A_256] : memref<2048xi32, #tpu.memory_space<vmem>> -> memref<128xi32, #tpu.memory_space<vmem>>
        %dma_start3A_263 = arith.constant 0 : i32
        %dma_start3A_264 = arith.constant 0 : i32
        %dma_start3A_265 = tpu.memref_slice %arg14[%dma_start3A_263, %dma_start3A_264] : memref<1024x128xf32, #tpu.memory_space<vmem_shared>> -> memref<1024x128xf32, #tpu.memory_space<vmem_shared>>
        tpu.enqueue_indirect_dma source(%dma_start3A_265 : memref<1024x128xf32, #tpu.memory_space<vmem_shared>>) target(%dma_start3A_261 : memref<128x128xf32, #tpu.memory_space<vmem>>) offsets(%dma_start3A_262 : memref<128xi32, #tpu.memory_space<vmem>>) semaphore(%arg18 : memref<!tpu.dma_semaphore, #tpu.memory_space<semaphore_mem>>)
      } else {
      }
    }
    %scan3A_82 = arith.constant 4 : i32
    %dma_wait3A = arith.constant 0 : i32
    %dma_wait3A_83 = arith.constant 0 : i32
    %dma_wait3A_84 = arith.constant 0 : i32
    %dma_wait3A_85 = tpu.memref_slice %arg13[%dma_wait3A, %dma_wait3A_83, %dma_wait3A_84] : memref<2x128x128xf32, #tpu.memory_space<vmem>> -> memref<1x128x128xf32, #tpu.memory_space<vmem>>
    %dma_wait3A_86 = tpu.memref_squeeze %dma_wait3A_85 : memref<1x128x128xf32, #tpu.memory_space<vmem>> -> memref<128x128xf32, #tpu.memory_space<vmem>>
    %dma_wait3A_87 = arith.constant 0 : i32
    %dma_wait3A_88 = tpu.memref_slice %arg7[%mul3A_2, %dma_wait3A_87] : memref<32768x128xf32, #tpu.memory_space<hbm>> -> memref<128x128xf32, #tpu.memory_space<hbm>>
    %dma_wait3A_89 = arith.constant 0 : i32
    %dma_wait3A_90 = tpu.memref_slice %arg7[%mul3A_2, %dma_wait3A_89] : memref<32768x128xf32, #tpu.memory_space<hbm>> -> memref<128x128xf32, #tpu.memory_space<hbm>>
    %dma_wait3A_91 = arith.constant 0 : i32
    %dma_wait3A_92 = arith.constant 0 : i32
    %dma_wait3A_93 = tpu.memref_slice %arg13[%dma_wait3A, %dma_wait3A_91, %dma_wait3A_92] : memref<2x128x128xf32, #tpu.memory_space<vmem>> -> memref<1x128x128xf32, #tpu.memory_space<vmem>>
    %dma_wait3A_94 = tpu.memref_squeeze %dma_wait3A_93 : memref<1x128x128xf32, #tpu.memory_space<vmem>> -> memref<128x128xf32, #tpu.memory_space<vmem>>
    tpu.wait_dma2 semaphore(%arg19 : memref<!tpu.dma_semaphore, #tpu.memory_space<semaphore_mem>>) src(%dma_wait3A_94 : memref<128x128xf32, #tpu.memory_space<vmem>>) dst(%dma_wait3A_90 : memref<128x128xf32, #tpu.memory_space<hbm>>)
    %dma_wait3A_95 = arith.constant 1 : i32
    %dma_wait3A_96 = arith.constant 0 : i32
    %dma_wait3A_97 = arith.constant 0 : i32
    %dma_wait3A_98 = tpu.memref_slice %arg13[%dma_wait3A_95, %dma_wait3A_96, %dma_wait3A_97] : memref<2x128x128xf32, #tpu.memory_space<vmem>> -> memref<1x128x128xf32, #tpu.memory_space<vmem>>
    %dma_wait3A_99 = tpu.memref_squeeze %dma_wait3A_98 : memref<1x128x128xf32, #tpu.memory_space<vmem>> -> memref<128x128xf32, #tpu.memory_space<vmem>>
    %dma_wait3A_100 = arith.constant 0 : i32
    %dma_wait3A_101 = tpu.memref_slice %arg7[%mul3A_2, %dma_wait3A_100] : memref<32768x128xf32, #tpu.memory_space<hbm>> -> memref<128x128xf32, #tpu.memory_space<hbm>>
    %dma_wait3A_102 = arith.constant 0 : i32
    %dma_wait3A_103 = tpu.memref_slice %arg7[%mul3A_2, %dma_wait3A_102] : memref<32768x128xf32, #tpu.memory_space<hbm>> -> memref<128x128xf32, #tpu.memory_space<hbm>>
    %dma_wait3A_104 = arith.constant 0 : i32
    %dma_wait3A_105 = arith.constant 0 : i32
    %dma_wait3A_106 = tpu.memref_slice %arg13[%dma_wait3A_95, %dma_wait3A_104, %dma_wait3A_105] : memref<2x128x128xf32, #tpu.memory_space<vmem>> -> memref<1x128x128xf32, #tpu.memory_space<vmem>>
    %dma_wait3A_107 = tpu.memref_squeeze %dma_wait3A_106 : memref<1x128x128xf32, #tpu.memory_space<vmem>> -> memref<128x128xf32, #tpu.memory_space<vmem>>
    tpu.wait_dma2 semaphore(%arg20 : memref<!tpu.dma_semaphore, #tpu.memory_space<semaphore_mem>>) src(%dma_wait3A_107 : memref<128x128xf32, #tpu.memory_space<vmem>>) dst(%dma_wait3A_103 : memref<128x128xf32, #tpu.memory_space<hbm>>)
    return
  }
}

</mosaic_0001>

<sc_bundles>
// kernel: kernel.3.cloned.1.call-start
scs
__scs_entry_jumppad:
0x0: {  	(pc) =	sbr.rel $0x88, $3  }
0x1: {  	(tag) =	ssettag $0x0;
	lr =	simm.s32 $0x1  }
0x2: {  	[smem:$0x3F99] =	sst lr;
	_ =	strace $0xD0000000  }
0x3: {  	_ = 	snop  }
0x4: {  	_ = 	snop  }
0x5: {  	_ = 	snop  }
0x6: {  	_ = 	snop  }
0x7: {  	_ = 	snop  }
__scs_overlays_trampoline_lowered:
0x8: {  	[smem:$0x3FA8] =	sst s0  }
0x9: {  	[smem:$0x3FA9] =	sst s1  }
0xa: {  	[smem:$0x3FAA] =	sst s2  }
0xb: {  	[smem:$0x3FAB] =	sst s3  }
0xc: {  	[smem:$0x3FAC] =	sst s4  }
0xd: {  	[smem:$0x3FAD] =	sst s5  }
0xe: {  	[smem:$0x3FAE] =	sst s6  }
0xf: {  	[smem:$0x3FAF] =	sst s7  }
0x10: {  	[smem:$0x3FB0] =	sst s8  }
0x11: {  	[smem:$0x3FB1] =	sst s9;
	s0 =	simm.s32 @!p0 $0x0  }
0x12: {  	s1 =	sld [smem:$0x3F97];
	s0 =	simm.s32 @p0 $0x1  }
0x13: {  	[smem:$0x3FB2] =	sst s0;
	s0 =	simm.s32 @!p1 $0x0  }
0x14: {  	s2 =	sld [smem:$0x3F96];
	s0 =	simm.s32 @p1 $0x1  }
0x15: {  	[smem:$0x3FB3] =	sst s0;
	s0 =	simm.s32 @!p2 $0x0  }
0x16: {  	s3 =	sld [smem:$0x3FDB];
	s0 =	simm.s32 @p2 $0x1  }
0x17: {  	s4 =	simm.s32 $0x1BF5;
	[smem:$0x3FB5] =	sst s0  }
0x18: {  	s0 =	sld [smem:$0x3F98];
	_ =	swait.ge [sflag:s4], $0x0  }
0x19: {  	s7 =	sld [smem:$0x3F99]  }
0x1a: {  	s8 =	sadd.s32 $0xFFFFE003, lr  }
0x1b: {  	s9 =	sadd.s32 $0xFFFFFEF7, lr;
	s5 =	simm.s32 $0xFFFFFFFF;
	p2 =	slt.u32 s8, $0xFFFFF086  }
0x1c: {  	p1 =	slt.u32 s9, $0xF7A;
	s5 =	simm.s32 @!p2 $0x0  }
0x1d: {  	s5 =	simm.s32 @p1 $0x1;
	p0 =	seq.s32 s7, s2  }
0x1e: {  	s7 =	smul.u32 @!p0 $0xF7A, s2;
	p2 =	seq.s32 @!p0 s5, $0x0  }
0x1f: {  	s9 =	smul.u32 $0xF7A, s1;
	s8 =	simm.s32 @!p0 $0x1BF5;
	p2 =	por !p2, p0  }
0x20: {  	[sflag:s8] =	ssyncset.s32 @!p0 $0xFFFFF086;
	s6 =	sadd.s32 @!p0 s3, s7;
	s7 =	simm.s32 @!p0 $0x108  }
0x21: {  	s3 =	sadd.s32 s3, s9;
	s6 =	sadd.s32 @!p0 $0x88, s6;
	s7 =	simm.s32 @p2 $0x1082  }
0x22: {  	[simem:s7], [sflag:s8] =	dma.local @!p0 [hbm:s6], $0xF7A  }
0x23: {  	s9 =	sor.u32 $0xD0000000, s2;
	s6 =	simm.s32 $0x108;
	_ =	swait.ge @!p0 [sflag:s8], $0x0  }
0x24: {  	s3 =	sadd.s32 $0x88, s3;
	s6 =	simm.s32 @!p1 $0x1082;
	[sflag:s4] =	ssyncset.s32 $0xFFFFF086  }
0x25: {  	[simem:s6], [sflag:s4] =	dma.local [hbm:s3], $0xF7A  }
0x26: {  	[smem:$0x3F99] =	sst s1;
	(tag) =	ssettag s2;
	_ =	strace s9  }
0x27: {  	s1 =	sld [smem:$0x3FA9]  }
0x28: {  	s2 =	sld [smem:$0x3FAA]  }
0x29: {  	s4 =	sld [smem:$0x3FAC]  }
0x2a: {  	p0 =	seq.s32 s5, $0x0;
	s5 =	sld [smem:$0x3FAD]  }
0x2b: {  	s6 =	sld [smem:$0x3FAE]  }
0x2c: {  	s7 =	sld [smem:$0x3FAF]  }
0x2d: {  	s3 =	simm.s32 $0x108;
	s8 =	sld [smem:$0x3FB0]  }
0x2e: {  	s3 =	simm.s32 @!p0 $0x1082;
	s9 =	sld [smem:$0x3FB1]  }
0x2f: {  	lr =	sadd.s32 s0, s3;
	s0 =	sld [smem:$0x3FA8]  }
0x30: {  	s3 =	sld [smem:$0x3FAB]  }
0x31: {  	[smem:$0x3FB4] =	sst s10  }
0x32: {  	s10 =	sld [smem:$0x3FB2];
	_ =	sdelay $0x3  }
0x33: {  	p0 =	seq.s32 s10, $0x1;
	s10 =	sld [smem:$0x3FB4];
	_ =	sdelay $0x3  }
0x34: {  	[smem:$0x3FB4] =	sst s10  }
0x35: {  	s10 =	sld [smem:$0x3FB3];
	_ =	sdelay $0x3  }
0x36: {  	p1 =	seq.s32 s10, $0x1;
	s10 =	sld [smem:$0x3FB4];
	_ =	sdelay $0x3  }
0x37: {  	[smem:$0x3FB4] =	sst s10  }
0x38: {  	s10 =	sld [smem:$0x3FB5]  }
0x39: {  	_ = 	snop;
	(pc) =	sbr.ind lr, $3  }
0x3a: {  	_ = 	snop  }
0x3b: {  	_ = 	snop  }
0x3c: {  	p2 =	seq.s32 s10, $0x1;
	s10 =	sld [smem:$0x3FB4]  }
0x3d: {  	_ =	shalt  }
0x3e: {  	_ =	shalt  }
0x3f: {  	_ =	shalt  }
0x40: {  	_ =	shalt  }
0x41: {  	_ =	shalt  }
0x42: {  	_ =	shalt  }
0x43: {  	_ =	shalt  }
0x44: {  	_ =	shalt  }
0x45: {  	_ =	shalt  }
0x46: {  	_ =	shalt  }
0x47: {  	_ =	shalt  }
0x48: {  	_ =	shalt  }
0x49: {  	_ =	shalt  }
0x4a: {  	_ =	shalt  }
0x4b: {  	_ =	shalt  }
0x4c: {  	_ =	shalt  }
0x4d: {  	_ =	shalt  }
0x4e: {  	_ =	shalt  }
0x4f: {  	_ =	shalt  }
0x50: {  	_ =	shalt  }
0x51: {  	_ =	shalt  }
0x52: {  	_ =	shalt  }
0x53: {  	_ =	shalt  }
0x54: {  	_ =	shalt  }
0x55: {  	_ =	shalt  }
0x56: {  	_ =	shalt  }
0x57: {  	_ =	shalt  }
0x58: {  	_ =	shalt  }
0x59: {  	_ =	shalt  }
0x5a: {  	_ =	shalt  }
0x5b: {  	_ =	shalt  }
0x5c: {  	_ =	shalt  }
0x5d: {  	_ =	shalt  }
0x5e: {  	_ =	shalt  }
0x5f: {  	_ =	shalt  }
0x60: {  	_ =	shalt  }
0x61: {  	_ =	shalt  }
0x62: {  	_ =	shalt  }
0x63: {  	_ =	shalt  }
0x64: {  	_ =	shalt  }
0x65: {  	_ =	shalt  }
0x66: {  	_ =	shalt  }
0x67: {  	_ =	shalt  }
0x68: {  	_ =	shalt  }
0x69: {  	_ =	shalt  }
0x6a: {  	_ =	shalt  }
0x6b: {  	_ =	shalt  }
0x6c: {  	_ =	shalt  }
0x6d: {  	_ =	shalt  }
0x6e: {  	_ =	shalt  }
0x6f: {  	_ =	shalt  }
0x70: {  	_ =	shalt  }
0x71: {  	_ =	shalt  }
0x72: {  	_ =	shalt  }
0x73: {  	_ =	shalt  }
0x74: {  	_ =	shalt  }
0x75: {  	_ =	shalt  }
0x76: {  	_ =	shalt  }
0x77: {  	_ =	shalt  }
0x78: {  	_ =	shalt  }
0x79: {  	_ =	shalt  }
0x7a: {  	_ =	shalt  }
0x7b: {  	_ =	shalt  }
0x7c: {  	_ =	shalt  }
0x7d: {  	_ =	shalt  }
0x7e: {  	_ =	shalt  }
0x7f: {  	_ =	shalt  }
0x80: {  	_ =	shalt  }
0x81: {  	_ =	shalt  }
0x82: {  	_ =	shalt  }
0x83: {  	_ =	shalt  }
0x84: {  	_ =	shalt  }
0x85: {  	_ =	shalt  }
0x86: {  	_ =	shalt  }
0x87: {  	_ =	shalt  }
.Lfunc_end0:
.L_simem_size_0:
called_computation_lowered:
.L_overlay_start_0:
0x88: {  	s2 =	sld [smem:$0x3FD9]  }
0x89: {  	s3 =	sld [smem:$0x3FFE];
	_ =	sdelay $0x1  }
0x8a: {  	s1 =	srdreg.scid  }
0x8b: {  	s0 =	sand.u32 $0x1, s1  }
0x8c: {  	s17 =	sshll.u32 s0, $0xA;
	s2 =	sadd.s32 s3, s2  }
0x8d: {  	s2 =	sadd.s32 s2, s17  }
0x8e: {  	[smem:$0x3FC0] =	sst s2  }
0x8f: {  	_ = 	snop  }
0x90: {  	s2 =	sld [smem:$0x3FC6]  }
0x91: {  	s18 =	sld [smem:$0x3FC3]  }
0x92: {  	s4 =	sld [smem:$0x3FC2]  }
0x93: {  	s5 =	sld [smem:$0x3FD0];
	(tm) =	ssettm $0x1  }
0x94: {  	s6 =	sld [smem:$0x3FFB];
	_ =	sdelay $0x3  }
0x95: {  	_ =	strace s6  }
0x96: {  	s6 =	sld [smem:$0x3FFC];
	_ =	sdelay $0x3  }
0x97: {  	_ =	strace s6  }
0x98: {  	s6 =	sld [smem:$0x3FFD];
	_ =	sdelay $0x3  }
0x99: {  	_ =	strace s6  }
0x9a: {  	_ =	strace $0x8FFFFFFF  }
0x9b: {  	s19 =	sld [smem:$0x3FDB];
	_ =	sdelay $0x1  }
0x9c: {  	s7 =	simm.s32 $_scs_section_size  }
0x9d: {  	s8 =	simm.s32 $_size__tile_overlayer_lowered;
	s9 =	simm.s32 $_tile_overlayer_lowered  }
0x9e: {  	s22 =	simm.s32 $0x1BFF;
	s21 =	sshll.u32 s9, $0x1;
	s6 =	sadd.s32 s7, s19  }
0x9f: {  	s10 =	simm.s32 $0x0;
	s20 =	sshll.u32 s8, $0x1;
	s8 =	sadd.s32 s21, s6  }
0xa0: {  	[timem:s10], [sflag:s22] =	dma.local [hbm:s8], s20  }
0xa1: {  	_ =	swait.ge [sflag:s22], s20  }
0xa2: {  	s7 =	ssub.s32 $0x0, s20;
	[sflag:s22] =	ssyncset.done $0x0  }
0xa3: {  	[sflag:s22] =	ssyncadd.s32 s7;
	_ =	sdelay $0x1  }
0xa4: {  	s23 =	simm.s32 $0x1B8B  }
0xa5: {  	_ =	swait.ge [sflag:s23], $0x1  }
0xa6: {  	[sflag:s23] =	ssyncset.done $0x0  }
0xa7: {  	s25 =	simm.s32 $0x1B8E;
	s24 =	sld [smem:$0x3FFE];
	[sflag:s23] =	ssyncadd.s32 $0xFFFFFFFF  }
0xa8: {  	s26 =	simm.s32 $execute0_lowered;
	[smem:$0x3FD2] =	sst s25  }
0xa9: {  	s8 =	sshll.u32 s26, $0x1;
	_ =	strace $0x80000046;
	[dreg:$0x1] =	wrdreg $0xFFFFFFFF  }
0xaa: {  	s28 =	simm.s32 $_size_execute0_lowered;
	s6 =	sadd.s32 s6, s8;
	[dreg:$0x0] =	wrdreg $0x0  }
0xab: {  	s8 =	sshll.u32 s28, $0x1;
	[dreg:$0x2] =	wrdreg s6  }
0xac: {  	[dreg:$0x3] =	wrdreg s8  }
0xad: {  	[dreg:$0x4] =	wrdreg $0xC0  }
0xae: {  	_ =	task [dreg:s10], $0x5FFFF  }
0xaf: {  	[dreg:$0x1] =	wrdreg $0xFFFFFFFF  }
0xb0: {  	[dreg:$0x0] =	wrdreg $0x60  }
0xb1: {  	[dreg:$0x2] =	wrdreg s2  }
0xb2: {  	[dreg:$0x3] =	wrdreg s24  }
0xb3: {  	[dreg:$0x4] =	wrdreg s18  }
0xb4: {  	[dreg:$0x5] =	wrdreg s4  }
0xb5: {  	[dreg:$0x6] =	wrdreg s5  }
0xb6: {  	[dreg:$0x7] =	wrdreg $0x189000  }
0xb7: {  	[dreg:$0x8] =	wrdreg $0x9  }
0xb8: {  	_ =	task.clear_ibuf [dreg:s10], $0x9FFFF;
	_ =	strace $0x90000046  }
0xb9: {  	s29 =	simm.s32 $0x9;
	_ =	strace $0x80000048  }
0xba: {  	_ =	swait.ge [sflag:s29], $0x1  }
0xbb: {  	[sflag:s29] =	ssyncadd.s32 $0xFFFFFFFF  }
0xbc: {  	_ =	strace $0x90000048  }
0xbd: {  	_ =	sfence  }
0xbe: {  	s30 =	sld [smem:$0x0];
	_ =	sdelay $0x2  }
0xbf: {  	s31 =	sshll.u32 s1, $0xD;
	s1 =	sshrl.u32 s1, $0x2  }
0xc0: {  	s3 =	sand.u32 $0x4000, s31;
	s1 =	sadd.s32 s1, s30  }
0xc1: {  	s0 =	sor.u32 s3, s0;
	s1 =	sshll.u32 s1, $0x11  }
0xc2: {  	s0 =	sor.u32 s1, s0  }
0xc3: {  	s0 =	sadd.s32 $0x8F2B, s0  }
0xc4: {  	[sflag:s0] =	ssyncadd.remote.s32 $0x1  }
0xc5: {  	_ =	sfence.sel $0xFFFF  }
0xc6: {  	[dreg:$0x0] =	wrdreg $0xFFFFFFFF;
	(pc) =	sbr.abs _section_cstart, $3  }
0xc7: {  	[dreg:$0x1] =	wrdreg $0xFFFFFFFF  }
0xc8: {  	_ =	task.clear_ibuf [dreg:s10], $0x2FFFF;
	_ =	strace $0x9FFFFFFF  }
0xc9: {  	(tm) =	ssettm $0x7FFFFFFF  }
tec
execute0_lowered:
.L_overlay_start_1:
0x0: {  	(tag) =	ssettag $0x1  }
0x1: {  	s1 =	rddreg [dreg:$0x0]  }
0x2: {  	s0 =	rddreg [dreg:$0x1]  }
0x3: {  	s2 =	rddreg [dreg:$0x4]  }
0x4: {  	s5 =	rddreg [dreg:$0x5]  }
0x5: {  	s6 =	simm.s32 $0x0;
	s9 =	stileid.u32;
	s3 =	srdreg.scid  }
0x6: {  	s14 =	simm.s32 $0x80;
	s16 =	simm.s32 $0x4900;
	s20 =	simm.s32 $0xC900  }
0x7: {  	s28 =	simm.s32 $0x4;
	s29 =	simm.s32 $0x14900;
	s31 =	simm.s32 $0x6  }
0x8: {  	[smem:$0x7FF] =	sst s6;
	s3 =	sand.u32 $0x1, s3;
	s4 =	sshll.u32 s9, $0x1  }
0x9: {  	s7 =	sshll.u32 s9, $0xA;
	s24 =	sshll.u32 s9, $0xD;
	s25 =	sshll.u32 s9, $0x6  }
0xa: {  	_ =	strace $0x80000047;
	s4 =	sor.u32 s3, s4;
	s3 =	ssub.s32 $0x2, s3  }
0xb: {  	s7 =	sadd.s32 s7, s0;
	s8 =	sshll.u32 s4, $0x8;
	s23 =	sshrl.u32 s3, $0x1  }
0xc: {  	s4 =	sshll.u32 s4, $0xE;
	s7 =	sadd.s32 $0x2800, s7;
	s0 =	sadd.s32 s8, s0  }
0xd: {  	s3 =	ssub.s32 s3, s23;
	s8 =	sadd.s32 s24, s5;
	[dreg:$0x7] =	wrdreg s7  }
.Ltmp0:
0xe: {  	s7 =	sor.u32 $0x1C07, s25;
	s10 =	sadd.s32 s2, s4;
	(pc) =	sbr.rel .LBB2_1-.Ltmp0, $4  }
0xf: {  	s23 =	simm.s32 $0x1;
	[dreg:$0x8] =	wrdreg s7;
	s0 =	sadd.s32 $0x800, s0  }
0x10: {  	s24 =	simm.s32 $0x3;
	s26 =	smax.u32 s3, $0x1;
	[dreg:$0x9] =	wrdreg s0  }
0x11: {  	s25 =	simm.s32 $0x10900;
	s30 =	sshrl.u32 s8, $0x3;
	[dreg:$0xa] =	wrdreg s26  }
0x12: {  	[dreg:$0xb] =	wrdreg s30;
	s26 =	simm.s32 $0x2;
	s0 =	simm.s32 $0x0  }
.LBB2_8:
0x13: {  	s2 =	simm.s32 $0x5  }
0x14: {  	_ =	swait.ge [sflag:s2], $0x4000  }
0x15: {  	[sflag:s2] =	ssyncset.done $0x0  }
0x16: {  	[sflag:s2] =	ssyncadd.s32 $0xFFFFC000  }
0x17: {  	_ =	swait.ge [sflag:s31], $0x4000  }
0x18: {  	s0 =	sadd.s32 $0x1, s0;
	s30 =	rddreg [dreg:$0xa]  }
0x19: {  	p0 =	sne.s32 s0, s30  }
.Ltmp1:
0x1a: {  	_ = 	snop;
	(pc) =	sbr.rel @!p0 .LBB2_9-.Ltmp1, $3  }
0x1b: {  	_ =	sdelay $0x1  }
0x1c: {  	[sflag:s31] =	ssyncset.done $0x0  }
0x1d: {  	[sflag:s31] =	ssyncadd.s32 $0xFFFFC000  }
.LBB2_1:
0x1e: {  	s2 =	rddreg [dreg:$0x7]  }
0x1f: {  	s3 =	rddreg [dreg:$0x8]  }
0x20: {  	s4 =	rddreg [dreg:$0xb];
	s11 =	simm.s32 $0x7  }
0x21: {  	[spmem:s4], [sflag:s3] =	dma.local [hbm:s2], $0x400  }
0x22: {  	_ =	swait.ge [sflag:s11], $0x400  }
0x23: {  	[sflag:s11] =	ssyncset.done $0x0  }
0x24: {  	s12 =	rddreg [dreg:$0x9];
	[sflag:s11] =	ssyncadd.s32 $0xFFFFFC00  }
0x25: {  	[tilespmem:s6], [sflag:$0x7] =	stream.linear.gather [hbm4b:s12+s6], $0x800, $0x38;
	[tilespmem:$0x1A900] =	vst v63  }
0x26: {  	_ =	swait.ge [sflag:s11], $0x800  }
0x27: {  	[sflag:s11] =	ssyncset.done $0x0  }
0x28: {  	s13 =	simm.s32 $0x900;
	[sflag:s11] =	ssyncadd.s32 $0xFFFFF800  }
0x29: {  	[tilespmem:s13], [sflag:$0x1] =	stream.indirect.gather [hbm4b:s1+s14], $0x80, s6, s14, $0xb8;
	[tilespmem:$0x1A900] =	vst v63  }
0x2a: {  	_ = 	snop  }
0x2b: {  	[tilespmem:s16], [sflag:$0x2] =	stream.indirect.gather [hbm4b:s1+s14], $0x80, s14, s14, $0xb8;
	[tilespmem:$0x1A900] =	vst v63  }
0x2c: {  	s15 =	simm.s32 $0x400;
	s17 =	simm.s32 $0x8900;
	[bflag:$0x0] =	sbarrier.arrive $0xFFFF  }
0x2d: {  	[tilespmem:s17], [sflag:$0x3] =	stream.indirect.gather [spmem:s5], $0x80, s15, s14, $0xb8;
	[tilespmem:$0x1A900] =	vst v63  }
0x2e: {  	s18 =	simm.s32 $0x480  }
0x2f: {  	[tilespmem:s20], [sflag:$0x4] =	stream.indirect.gather [spmem:s5], $0x80, s18, s14, $0xb8;
	[tilespmem:$0x1A900] =	vst v63  }
0x30: {  	s21 =	simm.s32 $0x800;
	s19 =	rddreg [dreg:$0x2]  }
0x31: {  	[tilespmem:s21], [sflag:$0x7] =	stream.linear.gather [hbm4b:s19+s6], $0x80, $0x38;
	[tilespmem:$0x1A900] =	vst v63  }
0x32: {  	_ =	swait.ge [sflag:s11], $0x80  }
0x33: {  	[sflag:s11] =	ssyncset.done $0x0  }
0x34: {  	[sflag:s11] =	ssyncadd.s32 $0xFFFFFF80  }
0x35: {  	s30 =	simm.s32 $0x880;
	s22 =	rddreg [dreg:$0x3]  }
0x36: {  	[tilespmem:s30], [sflag:$0x7] =	stream.linear.gather [hbm4b:s22+s6], $0x80, $0x38;
	[tilespmem:$0x1A900] =	vst v63  }
0x37: {  	_ =	swait.ge [sflag:s11], $0x80  }
0x38: {  	[sflag:s11] =	ssyncset.done $0x0  }
0x39: {  	[sflag:s11] =	ssyncadd.s32 $0xFFFFFF80  }
0x3a: {  	v0 =	vld [tilespmem:$0x800];
	_ =	sdelay $0x4  }
0x3b: {  	[tilespmem:$0x1FF10] =	vst v0;
	v0 =	vld [tilespmem:$0x8A0];
	_ =	sdelay $0x4  }
0x3c: {  	[tilespmem:$0x1FF20] =	vst v0;
	v0 =	vld [tilespmem:$0x8B0];
	_ =	sdelay $0x4  }
0x3d: {  	[tilespmem:$0x1FF30] =	vst v0;
	v0 =	vld [tilespmem:$0x8C0];
	_ =	sdelay $0x4  }
0x3e: {  	[tilespmem:$0x1FF40] =	vst v0;
	v0 =	vld [tilespmem:$0x850]  }
0x3f: {  	v6 =	vld [tilespmem:$0x8D0]  }
0x40: {  	v1 =	vld [tilespmem:$0x880]  }
0x41: {  	v12 =	vld [tilespmem:$0x820]  }
0x42: {  	v11 =	vld [tilespmem:$0x840]  }
0x43: {  	[tilespmem:$0x1FF50] =	vst v0;
	v0 =	vld [tilespmem:$0x860]  }
0x44: {  	v7 =	vld [tilespmem:$0x8E0];
	[tilespmem:$0x1FF70] =	vst v6  }
0x45: {  	v10 =	vld [tilespmem:$0x8F0];
	[tilespmem:$0x1FF80] =	vst v1  }
0x46: {  	v20 =	vld [tilespmem:$0x890];
	[tilespmem:$0x1FF90] =	vst v12  }
0x47: {  	v5 =	vld [tilespmem:$0x810];
	[tilespmem:$0x1FFA0] =	vst v11  }
0x48: {  	[tilespmem:$0x1FF60] =	vst v0;
	v0 =	vld [tilespmem:$0x870]  }
0x49: {  	[tilespmem:$0x1FFB0] =	vst v7  }
0x4a: {  	[tilespmem:$0x1FFD0] =	vst v10  }
0x4b: {  	[tilespmem:$0x1FFE0] =	vst v20  }
0x4c: {  	[tilespmem:$0x1FFF0] =	vst v5  }
0x4d: {  	s4 =	simm.s32 $0x0;
	v15 =	vld [tilespmem:$0x830];
	[tilespmem:$0x1FFC0] =	vst v0  }
.LBB2_2:
0x4e: {  	p0 =	seq.s32 s4, $0x0  }
0x4f: {  	s2 =	simm.s32 @!p0 $0x5  }
0x50: {  	_ =	swait.ge @!p0 [sflag:s2], $0x4000  }
0x51: {  	[sflag:s2] =	ssyncset.done @!p0 $0x0  }
0x52: {  	[sflag:s2] =	ssyncadd.s32 @!p0 $0xFFFFC000  }
0x53: {  	_ =	swait.ge [sflag:s23], $0x4000  }
0x54: {  	[sflag:s23] =	ssyncset.done $0x0  }
0x55: {  	[sflag:s23] =	ssyncadd.s32 $0xFFFFC000  }
0x56: {  	_ =	swait.ge [sflag:s24], $0x4000  }
0x57: {  	[sflag:s24] =	ssyncset.done $0x0  }
0x58: {  	s7 =	simm.s32 $0x980;
	[sflag:s24] =	ssyncadd.s32 $0xFFFFC000  }
0x59: {  	s3 =	simm.s32 $0x8980;
	v16 =	vld [tilespmem:s7+$0x0]  }
0x5a: {  	v17 =	vld [tilespmem:s3+$0x0]  }
0x5b: {  	v18 =	vld [tilespmem:s7+$0x10]  }
0x5c: {  	v19 =	vld [tilespmem:s3+$0x10]  }
0x5d: {  	v20 =	vld [tilespmem:s7+$0x20]  }
0x5e: {  	v21 =	vld [tilespmem:s3+$0x20]  }
0x5f: {  	v22 =	vld [tilespmem:s7+$0x30]  }
0x60: {  	v23 =	vld [tilespmem:s3+$0x30]  }
0x61: {  	v24 =	vld [tilespmem:s7+$0x40]  }
0x62: {  	v25 =	vld [tilespmem:s3+$0x40]  }
0x63: {  	v27 =	vld [tilespmem:s7+$0x50]  }
0x64: {  	v31 =	vld [tilespmem:s3+$0x50]  }
0x65: {  	v32 =	vld [tilespmem:s7+$0x60]  }
0x66: {  	v33 =	vld [tilespmem:s3+$0x60]  }
0x67: {  	v34 =	vld [tilespmem:s7+$0x70]  }
0x68: {  	v35 =	vld [tilespmem:s3+$0x70]  }
0x69: {  	v39 =	vld [tilespmem:s3+$0xFFFFFF80]  }
0x6a: {  	v36 =	vld [tilespmem:s7+$0xFFFFFF90]  }
0x6b: {  	v37 =	vld [tilespmem:s3+$0xFFFFFF90]  }
0x6c: {  	v60 =	vld [tilespmem:s3+$0xFFFFFFC0];
	v29 =	vadd.f32 v17, v16  }
0x6d: {  	v41 =	vld [tilespmem:s7+$0xFFFFFFD0];
	v26 =	vadd.f32 v19, v18;
	v3 =	vadd.f32 v21, v20  }
0x6e: {  	v62 =	vld [tilespmem:s3+$0xFFFFFFD0];
	v28 =	vadd.f32 v23, v22;
	v2 =	vadd.f32 v25, v24  }
0x6f: {  	v45 =	vld [tilespmem:s3+$0xFFFFFFE0];
	v9 =	vadd.f32 v31, v27;
	v25 =	vadd.f32 v33, v32  }
0x70: {  	v50 =	vld [tilespmem:s7+$0xFFFFFFF0];
	v31 =	vadd.f32 v35, v34;
	v32 =	vadd.f32 v37, v36  }
0x71: {  	v16 =	vld [tilespmem:s7+$0xFFFFFFA0];
	v20 =	vadd.f32 v26, v29;
	v22 =	vadd.f32 v28, v3;
	v23 =	vmul.f32 v29, v29  }
0x72: {  	v17 =	vld [tilespmem:s3+$0xFFFFFFA0];
	v59 =	vadd.f32 v9, v2;
	v61 =	vmul.f32 v26, v26;
	v38 =	vmul.f32 v3, v3  }
0x73: {  	v18 =	vld [tilespmem:s7+$0xFFFFFFB0];
	v40 =	vadd.f32 v31, v25;
	v42 =	vmul.f32 v28, v28;
	v43 =	vmul.f32 v2, v2  }
0x74: {  	v19 =	vld [tilespmem:s3+$0xFFFFFFB0];
	v63 =	vmul.f32 v9, v9;
	v44 =	vmul.f32 v25, v25;
	v20 =	vadd.f32 v22, v20  }
0x75: {  	v21 =	vld [tilespmem:s7+$0xFFFFFFC0];
	v48 =	vmul.f32 v31, v31;
	v40 =	vadd.f32 v40, v59;
	v23 =	vadd.f32 v61, v23  }
0x76: {  	v22 =	vld [tilespmem:s7+$0xFFFFFFE0];
	v49 =	vadd.f32 v42, v38;
	v36 =	vadd.f32 v63, v43  }
0x77: {  	v51 =	vadd.f32 v48, v44;
	v33 =	vadd.f32 v17, v16;
	v16 =	vld [tilespmem:s3+$0xFFFFFFF0]  }
0x78: {  	v17 =	vadd.f32 v40, v20;
	v20 =	vadd.f32 v49, v23;
	v23 =	vld [tilespmem:s7+$0xFFFFFF80]  }
0x79: {  	s8 =	simm.s32 $0xA80;
	v34 =	vadd.f32 v62, v41;
	v35 =	vadd.f32 v19, v18  }
0x7a: {  	s9 =	simm.s32 $0x8A80;
	v56 =	vld [tilespmem:s8+$0x0];
	v18 =	vmul.f32 v32, v32;
	v38 =	vadd.f32 v51, v36;
	v36 =	vadd.f32 v60, v21  }
0x7b: {  	v46 =	vld [tilespmem:s9+$0x50];
	v19 =	vmul.f32 v33, v33;
	v21 =	vadd.f32 v35, v33;
	v52 =	vmul.f32 v35, v35  }
0x7c: {  	v47 =	vld [tilespmem:s8+$0x60];
	v20 =	vadd.f32 v38, v20;
	v53 =	vmul.f32 v36, v36;
	v38 =	vadd.f32 v45, v22  }
0x7d: {  	v62 =	vld [tilespmem:s9+$0x40];
	v22 =	vmul.f32 v34, v34;
	v37 =	vadd.f32 v16, v50;
	v40 =	vadd.f32 v39, v23  }
0x7e: {  	v41 =	vld [tilespmem:s9+$0xFFFFFFA0];
	v19 =	vadd.f32 v52, v19;
	v16 =	vadd.f32 v34, v36;
	v23 =	vmul.f32 v38, v38  }
0x7f: {  	v61 =	vld [tilespmem:s9+$0x10];
	(xrf2) =	vadd.scan.msk.f32 $0xffff, v17;
	v22 =	vadd.f32 v22, v53;
	v54 =	vmul.f32 v37, v37;
	v55 =	vmul.f32 v40, v40  }
0x80: {  	v63 =	vld [tilespmem:s8+$0x50];
	(xrf2) =	vadd.scan.msk.f32 $0xffff, v20;
	v57 =	vadd.f32 v37, v38;
	v58 =	vadd.f32 v32, v40  }
0x81: {  	v48 =	vld [tilespmem:s9+$0x60];
	v23 =	vadd.f32 v54, v23;
	v18 =	vadd.f32 v18, v55  }
0x82: {  	v60 =	vld [tilespmem:s8+$0x10];
	v16 =	vadd.f32 v57, v16;
	v21 =	vadd.f32 v21, v58  }
0x83: {  	v49 =	vld [tilespmem:s8+$0x70];
	v22 =	vadd.f32 v23, v22;
	v18 =	vadd.f32 v19, v18  }
0x84: {  	v52 =	vld [tilespmem:s8+$0xFFFFFF90];
	v16 =	vadd.f32 v16, v21  }
0x85: {  	v20 =	vld [tilespmem:s8+$0x30];
	v17 =	vadd.f32 v22, v18  }
0x86: {  	v50 =	vld [tilespmem:s9+$0x70];
	(xrf2) =	vadd.scan.msk.f32 $0xffff, v16  }
0x87: {  	v53 =	vld [tilespmem:s9+$0xFFFFFF90];
	(xrf2) =	vadd.scan.msk.f32 $0xffff, v17  }
0x88: {  	v19 =	vld [tilespmem:s8+$0x20]  }
0x89: {  	v21 =	vld [tilespmem:s9+$0x20];
	v17, _, _ =	vpop (xrf2)  }
0x8a: {  	v16 =	vld [tilespmem:s9+$0x30];
	(v2sf) =	vpush v17, $0xF;
	v17, _, _ =	vpop (xrf2)  }
0x8b: {  	v23 =	vld [tilespmem:s8+$0x40];
	(v2sf) =	vpush v17, $0xF  }
0x8c: {  	v59 =	vld [tilespmem:s9+$0x0]  }
0x8d: {  	v42 =	vld [tilespmem:s8+$0xFFFFFFA0];
	v8 =	vadd.f32 v50, v49;
	v4 =	vadd.f32 v53, v52  }
0x8e: {  	v43 =	vld [tilespmem:s9+$0xFFFFFFB0];
	v18 =	vadd.f32 v61, v60;
	v22 =	vadd.f32 v21, v19  }
0x8f: {  	v51 =	vld [tilespmem:s9+$0xFFFFFF80];
	v21 =	vadd.f32 v46, v63;
	v16 =	vadd.f32 v16, v20  }
0x90: {  	v19 =	vadd.f32 v48, v47;
	v20 =	vadd.f32 v62, v23;
	v23 =	vld [tilespmem:s8+$0xFFFFFFB0];
	[tilespmem:$0x1FF00] =	vst v8;
	v17, _, _ =	vpop (xrf2)  }
0x91: {  	v55 =	vmul.f32 v22, v22;
	v46 =	vld [tilespmem:s8+$0xFFFFFFC0];
	v47 =	vadd.f32 v16, v22;
	(v2sf) =	vpush v17, $0xF;
	v17, _, _ =	vpop (xrf2)  }
0x92: {  	v50 =	vld [tilespmem:s9+$0xFFFFFFC0];
	v58 =	vmul.f32 v16, v16;
	(v2sf) =	vpush v17, $0xF;
	v17 =	vadd.f32 v59, v56  }
0x93: {  	v54 =	vmul.f32 v18, v18;
	v57 =	vld [tilespmem:s8+$0xFFFFFFD0];
	v39 =	vadd.f32 v21, v20;
	v56 =	vadd.f32 v8, v19  }
0x94: {  	v52 =	vld [tilespmem:s9+$0xFFFFFFD0];
	v55 =	vadd.f32 v58, v55;
	v45 =	vadd.f32 v18, v17;
	v48 =	vmul.f32 v17, v17  }
0x95: {  	v58 =	vld [tilespmem:s8+$0xFFFFFFF0];
	v49 =	vadd.f32 v56, v39;
	v39 =	vmul.f32 v8, v8;
	v8 =	vadd.f32 v41, v42  }
0x96: {  	v45 =	vadd.f32 v47, v45;
	v47 =	vld [tilespmem:s8+$0xFFFFFFE0]  }
0x97: {  	v53 =	vmul.f32 v21, v21;
	v48 =	vadd.f32 v54, v48;
	v54 =	vld [tilespmem:s9+$0xFFFFFFE0];
	[tilespmem:$0x1FED0] =	vst v8  }
0x98: {  	v60 =	vmul.f32 v19, v19;
	v59 =	vmul.f32 v20, v20;
	v42 =	vld [tilespmem:s8+$0xFFFFFF80]  }
0x99: {  	v23 =	vadd.f32 v43, v23;
	s11 =	spop (v2sf)  }
0x9a: {  	v53 =	vadd.f32 v53, v59;
	v56 =	vadd.f32 v39, v60;
	v59 =	vld [tilespmem:s9+$0xFFFFFFF0];
	s8 =	smul.f32 $7.812500000e-03, s11;
	s12 =	spop (v2sf)  }
0x9b: {  	v13 =	vadd.f32 v50, v46;
	v14 =	vadd.f32 v52, v57;
	s2 =	smul.f32 $7.812500000e-03, s12  }
0x9c: {  	v41 =	vadd.f32 v55, v48;
	v53 =	vadd.f32 v56, v53;
	s13 =	smul.f32 s8, s8  }
0x9d: {  	v63 =	vmul.f32 v23, v23;
	[tilespmem:$0x1FEE0] =	vst v23;
	v60 =	vadd.f32 v49, v45;
	v48 =	vadd.f32 v51, v42  }
0x9e: {  	v61 =	vmul.f32 v8, v8;
	v52 =	vadd.f32 v23, v8;
	[tilespmem:$0x1FEF0] =	vst v14;
	v62 =	vadd.f32 v53, v41;
	s3 =	ssub.f32 s2, s13;
	s2 =	simm.s32 $0xB80  }
0x9f: {  	v56 =	vmul.f32 v4, v4;
	(xrf2) =	vadd.scan.msk.f32 $0xffff, v60;
	v23 =	vadd.f32 v59, v58;
	v60 =	vmul.f32 v48, v48;
	v58 =	vld [tilespmem:s2+$0x0]  }
0xa0: {  	v39 =	vmul.f32 v13, v13;
	v46 =	vadd.f32 v63, v61;
	(xrf2) =	vadd.scan.msk.f32 $0xffff, v62;
	v62 =	vadd.f32 v4, v48;
	v57 =	vld [tilespmem:s2+$0x10];
	s12 =	spop (v2sf)  }
0xa1: {  	v8 =	vmovc v13;
	v41 =	vmul.f32 v14, v14;
	v13 =	vadd.f32 v54, v47;
	v63 =	vadd.f32 v56, v60;
	v60 =	vld [tilespmem:s2+$0x20];
	s12 =	smul.f32 $7.812500000e-03, s12  }
0xa2: {  	v42 =	vadd.f32 v14, v8;
	s7 =	sadd.f32 $9.999999960e-13, s3;
	s3 =	simm.s32 $0x8B80;
	v52 =	vadd.f32 v52, v62;
	v62 =	vld [tilespmem:s2+$0x30]  }
0xa3: {  	v47 =	vadd.f32 v41, v39;
	v61 =	vadd.f32 v23, v13;
	v56 =	vld [tilespmem:s3+$0x0];
	v41 =	vmov s12  }
0xa4: {  	v59 =	vld [tilespmem:s3+$0x10];
	v14 =	vsub.f32 v40, v41  }
0xa5: {  	v51 =	vadd.f32 v61, v42;
	v61 =	vld [tilespmem:s3+$0x20]  }
0xa6: {  	v43 =	vmul.f32 v13, v13;
	v45 =	vmul.f32 v23, v23;
	v46 =	vadd.f32 v46, v63;
	v63 =	vld [tilespmem:s3+$0x30];
	[tilespmem:$0x1FE80] =	vst v14  }
0xa7: {  	s9 =	sshrl.u32 s7, $0x1;
	s7 =	smul.f32 $5.000000000e-01, s7;
	v14 =	vsub.f32 v36, v41;
	v27 =	vld [tilespmem:s2+$0x40]  }
0xa8: {  	v50 =	vadd.f32 v45, v43;
	s9 =	ssub.s32 $0x5F3759DF, s9;
	v53 =	vsub.f32 v32, v41;
	v32 =	vld [tilespmem:s3+$0x40]  }
0xa9: {  	s15 =	spop (v2sf);
	s11 =	smul.f32 s9, s7;
	v30 =	vld [tilespmem:s2+$0x50];
	[tilespmem:$0x1FE90] =	vst v14;
	v14 =	vsub.f32 v34, v41  }
0xaa: {  	s15 =	smul.f32 $7.812500000e-03, s15  }
0xab: {  	v49, _, _ =	vpop (xrf2);
	s11 =	smul.f32 s9, s11;
	v24 =	vld [tilespmem:s3+$0x50];
	[tilespmem:$0x1FEA0] =	vst v14;
	v14 =	vsub.f32 v38, v41  }
0xac: {  	v47 =	vadd.f32 v50, v47;
	s12 =	smul.f32 s12, s12;
	(v2sf) =	vpush v49, $0xF;
	v50, _, _ =	vpop (xrf2)  }
0xad: {  	(v2sf) =	vpush v50, $0xF;
	s11 =	ssub.f32 $1.500000000e+00, s11;
	[tilespmem:$0x1FEB0] =	vst v14;
	v14 =	vsub.f32 v37, v41  }
0xae: {  	v39 =	vadd.f32 v51, v52;
	v55 =	vsub.f32 v33, v41;
	s12 =	ssub.f32 s15, s12  }
0xaf: {  	v54 =	vsub.f32 v35, v41;
	v33 =	vmov s8;
	v46 =	vadd.f32 v47, v46;
	s9 =	smul.f32 s9, s11;
	v38 =	vld [tilespmem:s2+$0x60];
	[tilespmem:$0x1FEC0] =	vst v14  }
0xb0: {  	(xrf2) =	vadd.scan.msk.f32 $0xffff, v39;
	v44 =	vsub.f32 v31, v33;
	v45 =	vsub.f32 v29, v33;
	s15 =	sadd.f32 $9.999999960e-13, s12;
	v31 =	vld [tilespmem:s3+$0x60]  }
0xb1: {  	v52 =	vsub.f32 v26, v33;
	v47 =	vsub.f32 v3, v33;
	(xrf2) =	vadd.scan.msk.f32 $0xffff, v46;
	s17 =	smul.f32 s9, s7;
	v29 =	vld [tilespmem:s2+$0x70]  }
0xb2: {  	v51 =	vsub.f32 v28, v33;
	v49 =	vsub.f32 v2, v33;
	s18 =	sshrl.u32 s15, $0x1;
	s8 =	smul.f32 $5.000000000e-01, s15;
	v26 =	vld [tilespmem:s3+$0x70]  }
0xb3: {  	v46 =	vsub.f32 v25, v33;
	v36 =	vadd.f32 v56, v58;
	s21 =	ssub.s32 $0x5F3759DF, s18;
	s19 =	smul.f32 s17, s9;
	v39 =	vld [tilespmem:s2+$0xFFFFFF90]  }
0xb4: {  	v35 =	vadd.f32 v59, v57;
	v50 =	vsub.f32 v9, v33;
	s15 =	smul.f32 s21, s8;
	v25 =	vld [tilespmem:s3+$0xFFFFFF90]  }
0xb5: {  	v33 =	vadd.f32 v61, v60;
	v34 =	vadd.f32 v63, v62;
	v42 =	vld [tilespmem:s2+$0xFFFFFFA0];
	s11 =	ssub.f32 $1.500000000e+00, s19  }
0xb6: {  	v58 =	vmul.f32 v36, v36;
	v61 =	vmul.f32 v35, v35;
	s15 =	smul.f32 s21, s15;
	v56 =	vld [tilespmem:s3+$0xFFFFFFA0]  }
0xb7: {  	v57 =	vadd.f32 v34, v33;
	v37 =	vadd.f32 v35, v36;
	v43 =	vld [tilespmem:s2+$0xFFFFFFB0];
	s9 =	smul.f32 s11, s9  }
0xb8: {  	v58 =	vadd.f32 v61, v58;
	v32 =	vadd.f32 v32, v27;
	s22 =	ssub.f32 $1.500000000e+00, s15;
	v41 =	vld [tilespmem:s3+$0xFFFFFFB0]  }
0xb9: {  	v30 =	vadd.f32 v24, v30;
	v37 =	vadd.f32 v57, v37;
	v40 =	vld [tilespmem:s2+$0xFFFFFFC0];
	s7 =	smul.f32 s9, s7  }
0xba: {  	v28, _, _ =	vpop (xrf2);
	v60 =	vld [tilespmem:s3+$0xFFFFFFC0];
	s11 =	smul.f32 s21, s22;
	v31 =	vadd.f32 v31, v38;
	v24 =	vadd.f32 v26, v29  }
0xbb: {  	v62 =	vmul.f32 v33, v33;
	v57 =	vld [tilespmem:s2+$0xFFFFFFE0];
	(v2sf) =	vpush v28, $0xF;
	v59 =	vadd.f32 v30, v32;
	v28, _, _ =	vpop (xrf2);
	s17 =	spop (v2sf);
	s30 =	smul.f32 s7, s9  }
0xbc: {  	v61 =	vld [tilespmem:s3+$0xFFFFFFE0];
	(v2sf) =	vpush v28, $0xF;
	v28 =	vmul.f32 v34, v34;
	v2 =	vadd.f32 v24, v31;
	s7 =	smul.f32 $7.812500000e-03, s17;
	s17 =	spop (v2sf)  }
0xbd: {  	v38 =	vld [tilespmem:s2+$0xFFFFFFD0];
	v29 =	vmul.f32 v32, v32;
	v25 =	vadd.f32 v25, v39;
	v26 =	vmul.f32 v30, v30;
	s17 =	smul.f32 $7.812500000e-03, s17  }
0xbe: {  	v39 =	vld [tilespmem:s3+$0xFFFFFFD0];
	v27 =	vmul.f32 v31, v31;
	v59 =	vadd.f32 v2, v59;
	v2 =	vmul.f32 v24, v24;
	s18 =	smul.f32 s7, s7  }
0xbf: {  	v28 =	vadd.f32 v28, v62;
	v62 =	vld [tilespmem:s2+$0xFFFFFFF0];
	s13 =	smul.f32 s11, s8;
	v29 =	vadd.f32 v26, v29  }
0xc0: {  	v26 =	vadd.f32 v56, v42;
	v42 =	vld [tilespmem:s3+$0xFFFFFFF0];
	v27 =	vadd.f32 v2, v27;
	s18 =	ssub.f32 s17, s18  }
0xc1: {  	s15 =	smul.f32 s13, s11;
	s12 =	ssub.f32 $1.500000000e+00, s30;
	v2 =	vadd.f32 v28, v58;
	v58 =	vld [tilespmem:s3+$0xFFFFFF80]  }
0xc2: {  	v63 =	vadd.f32 v27, v29;
	v27 =	vadd.f32 v41, v43;
	v41 =	vld [tilespmem:s2+$0xFFFFFF80];
	s17 =	sadd.f32 $9.999999960e-13, s18  }
0xc3: {  	s15 =	ssub.f32 $1.500000000e+00, s15;
	v28 =	vadd.f32 v39, v38;
	v38 =	vadd.f32 v61, v57;
	s12 =	smul.f32 s12, s9  }
0xc4: {  	v43 =	vmul.f32 v26, v26;
	v39 =	vadd.f32 v63, v2;
	v2 =	vmul.f32 v27, v27;
	s19 =	sshrl.u32 s17, $0x1;
	s2 =	smul.f32 $5.000000000e-01, s17  }
0xc5: {  	s9 =	smul.f32 s15, s11;
	v29 =	vadd.f32 v60, v40;
	v40 =	vadd.f32 v42, v62;
	s11 =	ssub.s32 $0x5F3759DF, s19  }
0xc6: {  	v56 =	vadd.f32 v59, v37;
	v44 =	vmul.f32 s12, v44;
	v43 =	vadd.f32 v2, v43;
	s21 =	smul.f32 s11, s2  }
0xc7: {  	v2 =	vmul.f32 v40, v40;
	v37 =	vadd.f32 v58, v41;
	v58 =	vmul.f32 v38, v38  }
0xc8: {  	v44 =	vmul.f32 v44, v0;
	s15 =	smul.f32 s11, s21  }
0xc9: {  	v9 =	vld [tilespmem:$0x1FF50];
	v0 =	vmul.f32 v25, v25;
	v58 =	vadd.f32 v2, v58;
	v2 =	vmul.f32 v37, v37  }
0xca: {  	v50 =	vmul.f32 s12, v50;
	v42 =	vadd.f32 v28, v29;
	v41 =	vadd.f32 v40, v38;
	s15 =	ssub.f32 $1.500000000e+00, s15  }
0xcb: {  	(xrf2) =	vadd.scan.msk.f32 $0xffff, v56;
	v59 =	vadd.f32 v27, v26;
	v60 =	vmul.f32 v29, v29;
	v56 =	vadd.f32 v0, v2;
	v2 =	vld [tilespmem:$0x1FF10]  }
0xcc: {  	v63 =	vmul.f32 v28, v28;
	v41 =	vadd.f32 v41, v42;
	v42 =	vadd.f32 v25, v37;
	s11 =	smul.f32 s11, s15  }
0xcd: {  	s8 =	smul.f32 s9, s8;
	v45 =	vmul.f32 s12, v45;
	v49 =	vmul.f32 s12, v49  }
0xce: {  	v57 =	vadd.f32 v63, v60;
	v63 =	vmul.f32 v50, v9;
	v50 =	vld [tilespmem:$0x1FFE0];
	v42 =	vadd.f32 v59, v42;
	s15 =	smul.f32 s11, s2  }
0xcf: {  	v14 =	vld [tilespmem:$0x1FF40];
	v52 =	vmul.f32 s12, v52;
	s8 =	smul.f32 s8, s9;
	v62 =	vmul.f32 v49, v11  }
0xd0: {  	v44 =	vadd.f32 v44, v10;
	v10 =	vld [tilespmem:$0x1FF30];
	v61 =	vadd.f32 v41, v42;
	v41 =	vmul.f32 v45, v2;
	s15 =	smul.f32 s15, s11  }
0xd1: {  	s8 =	ssub.f32 $1.500000000e+00, s8;
	v49 =	vadd.f32 v63, v6;
	v6 =	vld [tilespmem:$0x1FE80];
	v57 =	vadd.f32 v58, v57;
	v58 =	vmul.f32 v52, v5  }
0xd2: {  	v3 =	vmov v5;
	v5 =	vld [tilespmem:$0x1FF60];
	v41 =	vadd.f32 v41, v1;
	s21 =	ssub.f32 $1.500000000e+00, s15;
	s15 =	simm.s32 $0x10980  }
0xd3: {  	v0 =	vld [tilespmem:$0x1FF20];
	v42 =	vadd.f32 v58, v50;
	[tilespmem:s15+$0x70] =	vst v44  }
0xd4: {  	s8 =	smul.f32 s8, s9;
	[tilespmem:s15+$0x0] =	vst v41  }
0xd5: {  	v47 =	vmul.f32 s12, v47;
	[tilespmem:s15+$0x10] =	vst v42  }
0xd6: {  	v51 =	vmul.f32 s12, v51;
	v58 =	vmul.f32 s8, v6;
	v6 =	vld [tilespmem:$0x1FE90]  }
0xd7: {  	v59 =	vmul.f32 v47, v12  }
0xd8: {  	v46 =	vmul.f32 s12, v46;
	s22 =	spop (v2sf)  }
0xd9: {  	s17 =	smul.f32 $7.812500000e-03, s22;
	v50 =	vadd.f32 v59, v0  }
0xda: {  	v60 =	vmul.f32 v51, v15;
	v52 =	vadd.f32 v62, v14;
	v51, _, _ =	vpop (xrf2);
	v46 =	vmul.f32 v46, v5  }
0xdb: {  	s30 =	spop (v2sf);
	(v2sf) =	vpush v51, $0xF;
	v51 =	vmov s17;
	v62 =	vmul.f32 s8, v6;
	v6 =	vld [tilespmem:$0x1FEA0];
	[tilespmem:s15+$0x20] =	vst v50  }
0xdc: {  	v59 =	vadd.f32 v46, v7;
	v46 =	vsub.f32 v4, v51;
	v4 =	vld [tilespmem:$0x1FEC0];
	_ =	sdelay $0x1  }
0xdd: {  	v47 =	vadd.f32 v60, v10;
	_ =	sdelay $0x1  }
0xde: {  	v63 =	vmul.f32 s8, v6;
	v6 =	vld [tilespmem:$0x1FEB0];
	[tilespmem:s15+$0x30] =	vst v47  }
0xdf: {  	v50 =	vmul.f32 s8, v4;
	v4 =	vld [tilespmem:$0x1FED0]  }
0xe0: {  	s18 =	smul.f32 $7.812500000e-03, s30  }
0xe1: {  	s13 =	smul.f32 s17, s17;
	_ =	sdelay $0x1  }
0xe2: {  	(xrf2) =	vadd.scan.msk.f32 $0xffff, v39;
	s12 =	ssub.f32 s18, s13  }
0xe3: {  	v44 =	vmul.f32 s8, v53;
	v47 =	vsub.f32 v4, v51;
	v4 =	vld [tilespmem:$0x1FEE0];
	[tilespmem:s15+$0x40] =	vst v52  }
0xe4: {  	s19 =	sadd.f32 $9.999999960e-13, s12;
	[tilespmem:s15+$0x50] =	vst v49  }
0xe5: {  	v53 =	vmul.f32 s8, v55;
	v55 =	vmul.f32 v44, v3;
	v3 =	vld [tilespmem:$0x1FEF0]  }
0xe6: {  	s30 =	sshrl.u32 s19, $0x1;
	s22 =	smul.f32 $5.000000000e-01, s19  }
0xe7: {  	s13 =	ssub.s32 $0x5F3759DF, s30;
	s11 =	smul.f32 s21, s11  }
0xe8: {  	s19 =	smul.f32 s13, s22  }
0xe9: {  	v43 =	vadd.f32 v43, v56;
	s2 =	smul.f32 s11, s2;
	[tilespmem:s15+$0x60] =	vst v59  }
0xea: {  	s21 =	smul.f32 s13, s19;
	v42 =	vsub.f32 v3, v51;
	v3 =	vld [tilespmem:$0x1FF00]  }
0xeb: {  	v56 =	vmul.f32 s8, v54;
	v60 =	vadd.f32 v57, v43;
	v43 =	vsub.f32 v13, v51;
	s2 =	smul.f32 s2, s11  }
0xec: {  	v45 =	vsub.f32 v48, v51;
	v58 =	vmul.f32 v58, v2;
	v57, _, _ =	vpop (xrf2);
	v54 =	vmul.f32 s8, v6;
	s8 =	ssub.f32 $1.500000000e+00, s21  }
0xed: {  	(xrf2) =	vadd.scan.msk.f32 $0xffff, v61;
	v13 =	vmovc v0;
	(v2sf) =	vpush v57, $0xF;
	v41 =	vsub.f32 v8, v51;
	v53 =	vmul.f32 v53, v12;
	s30 =	ssub.f32 $1.500000000e+00, s2  }
0xee: {  	s18 =	simm.s32 $0x4;
	s17 =	simm.s32 $0x10980;
	v8 =	vmovc v1;
	v6 =	vmovc v9;
	v52 =	vmul.f32 v56, v15;
	v49 =	vmul.f32 v62, v11;
	s8 =	smul.f32 s13, s8;
	v59 =	vmov s7  }
0xef: {  	s19 =	simm.s32 $0xC80;
	s2 =	sshll.u32 s4, $0xA;
	v56 =	vmul.f32 v63, v9;
	v9 =	vmovc v2;
	s7 =	smul.f32 s30, s11;
	v39 =	vsub.f32 v4, v51;
	v44 =	vsub.f32 v3, v59  }
.LBB2_3:
0xf0: {  	v57 =	vld [tilespmem:s19+$0x0]  }
0xf1: {  	v48 =	vsub.f32 v23, v51;
	v51 =	vmul.f32 v54, v5;
	v54 =	vsub.f32 v18, v59;
	v18 =	vmovc v35;
	v35 =	vld [tilespmem:s19+$0x10]  }
0xf2: {  	v0 =	vld [tilespmem:$0x1FFC0]  }
0xf3: {  	v62 =	vsub.f32 v20, v59;
	v20 =	vmov v32;
	v32 =	vld [tilespmem:s19+$0x20]  }
0xf4: {  	v1 =	vld [tilespmem:$0x1FFD0]  }
0xf5: {  	v7 =	vld [tilespmem:$0x1FFF0]  }
0xf6: {  	s3 =	sadd.s32 $0x100, s3;
	v4 =	vld [tilespmem:$0x1FFB0]  }
0xf7: {  	v23 =	vsub.f32 v17, v59;
	v17 =	vmovc v36;
	v3 =	vsub.f32 v16, v59;
	v36 =	vld [tilespmem:s3+$0x0];
	(xrf2) =	vadd.scan.msk.f32 $0xffff, v60;
	v44 =	vmul.f32 s7, v44  }
0xf8: {  	s9 =	smul.f32 s8, s22;
	v60 =	vsub.f32 v22, v59;
	v22 =	vmov v33;
	v33 =	vld [tilespmem:s3+$0x10];
	v58 =	vadd.f32 v58, v8  }
0xf9: {  	v16 =	vmovc v34;
	v34 =	vsub.f32 v21, v59;
	v21 =	vmov v30;
	v30 =	vld [tilespmem:s3+$0x20];
	v2 =	vmul.f32 v44, v0  }
0xfa: {  	s9 =	smul.f32 s9, s8;
	[tilespmem:s15+$0xFFFFFF80] =	vst v58;
	v58 =	vld [tilespmem:s3+$0x30]  }
0xfb: {  	v59 =	vsub.f32 v19, v59;
	v19 =	vmovc v31;
	v31 =	vmul.f32 s7, v3;
	v44 =	vmovc v38;
	v38 =	vld [tilespmem:s19+$0x30];
	v3 =	vadd.f32 v2, v1  }
0xfc: {  	s17 =	sadd.s32 $0x100, s17;
	v61 =	vmul.f32 s7, v23;
	s9 =	ssub.f32 $1.500000000e+00, s9;
	v2 =	vld [tilespmem:$0x1FFE0]  }
0xfd: {  	v53 =	vadd.f32 v53, v13;
	v54 =	vmul.f32 s7, v54;
	[tilespmem:s17+$0x70] =	vst v3;
	v3 =	vld [tilespmem:$0x1FF70]  }
0xfe: {  	v52 =	vadd.f32 v52, v10;
	v23 =	vmovc v40;
	v40 =	vmul.f32 s7, v59;
	v59 =	vmul.f32 v61, v9;
	s13 =	smul.f32 s9, s8;
	v61 =	vld [tilespmem:s19+$0x40]  }
0xff: {  	v49 =	vadd.f32 v49, v14;
	v62 =	vmul.f32 s7, v62;
	[tilespmem:s15+$0xFFFFFFA0] =	vst v53;
	v50 =	vmul.f32 v50, v0;
	v63, _, _ =	vpop (xrf2);
	v53 =	vld [tilespmem:s19+$0x50]  }
0x100: {  	v34 =	vmul.f32 s7, v34;
	[tilespmem:s15+$0xFFFFFFB0] =	vst v52;
	v51 =	vadd.f32 v51, v4;
	s22 =	smul.f32 s13, s22;
	(v2sf) =	vpush v63, $0xF;
	v52 =	vld [tilespmem:s3+$0x50]  }
0x101: {  	v60 =	vmul.f32 s7, v60;
	[tilespmem:s15+$0xFFFFFFC0] =	vst v49;
	v31 =	vmul.f32 v31, v15;
	v1 =	vadd.f32 v50, v1;
	v0 =	vld [tilespmem:s19+$0x60];
	v63, _, _ =	vpop (xrf2)  }
0x102: {  	v62 =	vmul.f32 v62, v11;
	[tilespmem:s15+$0xFFFFFFE0] =	vst v51;
	v50 =	vld [tilespmem:s3+$0x60];
	s7 =	smul.f32 s22, s13;
	v55 =	vadd.f32 v55, v2;
	(v2sf) =	vpush v63, $0xF;
	s30 =	spop (v2sf)  }
0x103: {  	v54 =	vmul.f32 v54, v7;
	v59 =	vadd.f32 v59, v8;
	[tilespmem:s15+$0xFFFFFFF0] =	vst v1;
	v51 =	vld [tilespmem:s3+$0x70];
	v56 =	vadd.f32 v56, v3;
	s21 =	smul.f32 $7.812500000e-03, s30;
	s11 =	spop (v2sf)  }
0x104: {  	v60 =	vmul.f32 v60, v12;
	v31 =	vadd.f32 v31, v10;
	v62 =	vadd.f32 v62, v14;
	[tilespmem:s15+$0xFFFFFF90] =	vst v55;
	v55 =	vld [tilespmem:s3+$0x40];
	s9 =	smul.f32 $7.812500000e-03, s11  }
0x105: {  	v40 =	vmul.f32 v40, v5;
	v36 =	vadd.f32 v36, v57;
	v54 =	vadd.f32 v54, v2;
	s7 =	ssub.f32 $1.500000000e+00, s7;
	[tilespmem:s15+$0xFFFFFFD0] =	vst v56;
	v56 =	vld [tilespmem:s19+$0x70];
	s11 =	smul.f32 s21, s21  }
0x106: {  	v34 =	vmul.f32 v34, v6;
	v35 =	vadd.f32 v33, v35;
	v33 =	vadd.f32 v30, v32;
	[tilespmem:s17+$0x0] =	vst v59;
	v59 =	vld [tilespmem:s19+$0xFFFFFF90]  }
0x107: {  	v60 =	vadd.f32 v60, v13;
	v40 =	vadd.f32 v40, v4;
	s7 =	smul.f32 s7, s13;
	[tilespmem:s17+$0x10] =	vst v54;
	v54 =	vld [tilespmem:s3+$0xFFFFFF90];
	s12 =	ssub.f32 s9, s11  }
0x108: {  	v63 =	vadd.f32 v34, v3;
	v34 =	vadd.f32 v58, v38;
	v38 =	vld [tilespmem:s19+$0xFFFFFFA0]  }
0x109: {  	v58 =	vmul.f32 v33, v33;
	v30 =	vadd.f32 v52, v53;
	v49 =	vmul.f32 s7, v45;
	v45 =	vld [tilespmem:s3+$0xFFFFFFA0];
	s8 =	sadd.f32 $9.999999960e-13, s12  }
0x10a: {  	[tilespmem:s17+$0x30] =	vst v31;
	v31 =	vadd.f32 v50, v0;
	v50 =	vmul.f32 v36, v36;
	v52 =	vmul.f32 s7, v46;
	v0 =	vld [tilespmem:s19+$0xFFFFFFB0]  }
0x10b: {  	[tilespmem:s17+$0x60] =	vst v40;
	v53 =	vmul.f32 s7, v47;
	v46 =	vadd.f32 v35, v36;
	v40 =	vld [tilespmem:s19+$0xFFFFFFC0];
	v32 =	vadd.f32 v55, v61;
	s13 =	sshrl.u32 s8, $0x1;
	s8 =	smul.f32 $5.000000000e-01, s8  }
0x10c: {  	[tilespmem:s17+$0x50] =	vst v63;
	v47 =	vadd.f32 v34, v33;
	v63 =	vmul.f32 v30, v30;
	v3 =	vld [tilespmem:s19+$0xFFFFFFD0];
	v57 =	vadd.f32 v51, v56;
	s9 =	ssub.s32 $0x5F3759DF, s13  }
0x10d: {  	[tilespmem:s17+$0x20] =	vst v60;
	v55 =	vld [tilespmem:s3+$0xFFFFFFB0];
	v61 =	vmul.f32 v34, v34;
	v51 =	vadd.f32 v30, v32;
	v56 =	vmul.f32 v35, v35;
	s22 =	smul.f32 s9, s8  }
0x10e: {  	[tilespmem:s17+$0x40] =	vst v62;
	v62 =	vmul.f32 v32, v32;
	v59 =	vadd.f32 v54, v59;
	v54 =	vld [tilespmem:s3+$0xFFFFFFC0];
	v60 =	vadd.f32 v57, v31  }
0x10f: {  	v2 =	vmul.f32 v31, v31;
	v50 =	vadd.f32 v56, v50;
	v56 =	vadd.f32 v61, v58;
	v58 =	vld [tilespmem:s19+$0xFFFFFFE0];
	s12 =	spop (v2sf);
	s11 =	smul.f32 s9, s22  }
0x110: {  	v61 =	vadd.f32 v63, v62;
	v62 =	vmul.f32 s7, v39;
	v39 =	vadd.f32 v45, v38;
	v38 =	vld [tilespmem:s3+$0xFFFFFFE0];
	s12 =	smul.f32 $7.812500000e-03, s12  }
0x111: {  	v46 =	vadd.f32 v47, v46;
	v47 =	vadd.f32 v60, v51;
	v51 =	vmul.f32 v57, v57;
	v60 =	vld [tilespmem:s3+$0xFFFFFFD0];
	s30 =	spop (v2sf);
	s11 =	ssub.f32 $1.500000000e+00, s11  }
0x112: {  	v1 =	vld [tilespmem:s3+$0xFFFFFF80];
	v53 =	vmul.f32 v53, v12;
	v63 =	vmul.f32 s7, v42;
	v0 =	vadd.f32 v55, v0;
	s22 =	smul.f32 $7.812500000e-03, s30  }
0x113: {  	v4 =	vmul.f32 v59, v59;
	v2 =	vadd.f32 v51, v2;
	v45 =	vadd.f32 v47, v46;
	v46 =	vld [tilespmem:s19+$0xFFFFFFF0];
	s9 =	smul.f32 s9, s11  }
0x114: {  	v42 =	vadd.f32 v0, v39;
	v47 =	vadd.f32 v56, v50;
	v56 =	vmul.f32 s7, v41;
	v50 =	vld [tilespmem:s19+$0xFFFFFF80];
	s13 =	smul.f32 s12, s12  }
0x115: {  	v41 =	vmul.f32 v39, v39;
	v2 =	vadd.f32 v2, v61;
	v61 =	vadd.f32 v54, v40;
	v40 =	vld [tilespmem:s3+$0xFFFFFFF0];
	s30 =	smul.f32 s9, s8  }
0x116: {  	v51 =	vmov s12;
	v38 =	vadd.f32 v38, v58;
	v3 =	vadd.f32 v60, v3;
	s11 =	ssub.f32 s22, s13  }
0x117: {  	v58 =	vmul.f32 v49, v9;
	(xrf2) =	vadd.scan.msk.f32 $0xffff, v45;
	v45 =	vmul.f32 v0, v0;
	v2 =	vadd.f32 v2, v47;
	s12 =	smul.f32 s30, s9  }
0x118: {  	v54 =	vmul.f32 s7, v43;
	v47 =	vmul.f32 v61, v61;
	v55 =	vadd.f32 v3, v61;
	s11 =	sadd.f32 $9.999999960e-13, s11  }
0x119: {  	v60 =	vmul.f32 v3, v3;
	(xrf2) =	vadd.scan.msk.f32 $0xffff, v2;
	v2 =	vadd.f32 v45, v41;
	v45 =	vsub.f32 v37, v51;
	s12 =	ssub.f32 $1.500000000e+00, s12  }
0x11a: {  	v43 =	vmul.f32 v38, v38;
	v37 =	vadd.f32 v1, v50;
	v40 =	vadd.f32 v40, v46;
	s30 =	sshrl.u32 s11, $0x1;
	s22 =	smul.f32 $5.000000000e-01, s11  }
0x11b: {  	v50 =	vmul.f32 s7, v48;
	v41 =	vadd.f32 v60, v47;
	v46 =	vsub.f32 v25, v51;
	v25 =	vmovc v59;
	s13 =	ssub.s32 $0x5F3759DF, s30;
	s9 =	smul.f32 s12, s9  }
0x11c: {  	v47 =	vsub.f32 v26, v51;
	v59 =	vadd.f32 v25, v37;
	v60 =	vmul.f32 v37, v37;
	s11 =	smul.f32 s13, s22  }
0x11d: {  	v26 =	vmovc v39;
	v39 =	vsub.f32 v27, v51;
	v1 =	vadd.f32 v40, v38;
	v48 =	vmul.f32 v40, v40;
	s8 =	smul.f32 s9, s8  }
0x11e: {  	s18 =	sadd.s32 $0x2, s18;
	v49 =	vmul.f32 v56, v11;
	v42 =	vadd.f32 v42, v59;
	v59 =	vadd.f32 v4, v60;
	s11 =	smul.f32 s13, s11  }
0x11f: {  	p0 =	slt.u32 s18, $0x7E;
	v56 =	vmul.f32 v63, v6;
	v27 =	vmovc v0;
	v0 =	vadd.f32 v1, v55;
	v1 =	vadd.f32 v48, v43;
	s8 =	smul.f32 s8, s9  }
.Ltmp2:
0x120: {  	v55 =	vmul.f32 v52, v7;
	v43 =	vsub.f32 v44, v51;
	v2 =	vadd.f32 v2, v59;
	(pc) =	sbr.rel @p0 .LBB2_3-.Ltmp2, $4  }
0x121: {  	v52 =	vmul.f32 v62, v15;
	v60, _, _ =	vpop (xrf2);
	v1 =	vadd.f32 v1, v41;
	v41 =	vsub.f32 v29, v51;
	s11 =	ssub.f32 $1.500000000e+00, s11  }
0x122: {  	v59 =	vmov s21;
	v0 =	vadd.f32 v0, v42;
	(v2sf) =	vpush v60, $0xF;
	s30 =	ssub.f32 $1.500000000e+00, s8  }
0x123: {  	v29 =	vmov v61;
	v42 =	vsub.f32 v28, v51;
	v44 =	vsub.f32 v24, v59;
	v4, _, _ =	vpop (xrf2);
	s8 =	smul.f32 s13, s11  }
0x124: {  	s15 =	smov.u32 s17;
	s19 =	sadd.s32 $0x100, s19;
	v28 =	vmovc v3;
	v24 =	vmov v57;
	v60 =	vadd.f32 v1, v2;
	(xrf2) =	vadd.scan.msk.f32 $0xffff, v0;
	(v2sf) =	vpush v4, $0xF;
	s7 =	smul.f32 s30, s9  }
0x125: {  	_ =	sdelay $0x1  }
0x126: {  	(xrf2) =	vadd.scan.msk.f32 $0xffff, v60;
	_ =	sdelay $0x7  }
0x127: {  	v0, _, _ =	vpop (xrf2)  }
0x128: {  	(v2sf) =	vpush v0, $0xF  }
0x129: {  	v61, _, _ =	vpop (xrf2)  }
0x12a: {  	s9 =	smul.f32 s8, s22;
	(v2sf) =	vpush v61, $0xF;
	s3 =	spop (v2sf)  }
0x12b: {  	s3 =	smul.f32 $7.812500000e-03, s3;
	s11 =	spop (v2sf)  }
0x12c: {  	s11 =	smul.f32 $7.812500000e-03, s11  }
0x12d: {  	s12 =	smul.f32 s3, s3  }
0x12e: {  	s9 =	smul.f32 s9, s8  }
0x12f: {  	s11 =	ssub.f32 s11, s12  }
0x130: {  	s9 =	ssub.f32 $1.500000000e+00, s9  }
0x131: {  	s11 =	sadd.f32 $9.999999960e-13, s11  }
0x132: {  	s9 =	smul.f32 s9, s8  }
0x133: {  	s19 =	sshrl.u32 s11, $0x1;
	s8 =	smul.f32 $5.000000000e-01, s11  }
0x134: {  	s21 =	smul.f32 s9, s22;
	s12 =	ssub.s32 $0x5F3759DF, s19  }
0x135: {  	s18 =	smul.f32 s12, s8  }
0x136: {  	s11 =	smul.f32 s21, s9  }
0x137: {  	v62 =	vsub.f32 v17, v59;
	s19 =	spop (v2sf);
	s18 =	smul.f32 s12, s18  }
0x138: {  	v1 =	vsub.f32 v18, v59;
	v17 =	vsub.f32 v21, v59;
	v21 =	vmul.f32 v54, v5;
	v54 =	vld [tilespmem:$0x1FFE0];
	s19 =	smul.f32 $7.812500000e-03, s19  }
0x139: {  	v2 =	vsub.f32 v22, v59;
	v4 =	vsub.f32 v16, v59;
	s18 =	ssub.f32 $1.500000000e+00, s18;
	s21 =	spop (v2sf)  }
0x13a: {  	v16 =	vsub.f32 v20, v59;
	v18 =	vsub.f32 v19, v59;
	s21 =	smul.f32 $7.812500000e-03, s21  }
0x13b: {  	v19 =	vsub.f32 v23, v51;
	v20 =	vadd.f32 v58, v8;
	v3 =	vmul.f32 s7, v44;
	s12 =	smul.f32 s12, s18  }
0x13c: {  	v57 =	vld [tilespmem:$0x1FFC0];
	v23 =	vadd.f32 v53, v13;
	v1 =	vmul.f32 s7, v1;
	v2 =	vmul.f32 s7, v2;
	s22 =	smul.f32 s19, s19  }
0x13d: {  	v51 =	vld [tilespmem:$0x1FFD0];
	v4 =	vmul.f32 s7, v4;
	v16 =	vmul.f32 s7, v16;
	[tilespmem:s15+$0xFFFFFF80] =	vst v20;
	v22 =	vadd.f32 v55, v54;
	s13 =	smul.f32 s12, s8  }
0x13e: {  	v17 =	vmul.f32 s7, v17;
	v18 =	vmul.f32 s7, v18;
	v53 =	vld [tilespmem:$0x1FFF0];
	[tilespmem:s15+$0xFFFFFFA0] =	vst v23;
	s18 =	ssub.f32 s21, s22  }
0x13f: {  	v2 =	vmul.f32 v2, v12;
	v4 =	vmul.f32 v4, v15;
	[tilespmem:s15+$0xFFFFFF90] =	vst v22;
	s21 =	ssub.f32 $1.500000000e+00, s11;
	s22 =	smul.f32 s13, s12  }
0x140: {  	v16 =	vmul.f32 v16, v11;
	v17 =	vmul.f32 v17, v6;
	v7 =	vld [tilespmem:$0x1FF70];
	s18 =	sadd.f32 $9.999999960e-13, s18  }
0x141: {  	v20 =	vadd.f32 v52, v10;
	v3 =	vmul.f32 v3, v57;
	v63 =	vmul.f32 v50, v57;
	v55 =	vld [tilespmem:$0x1FFB0];
	s21 =	smul.f32 s21, s9;
	s11 =	ssub.f32 $1.500000000e+00, s22  }
0x142: {  	v2 =	vadd.f32 v2, v13;
	v4 =	vadd.f32 v4, v10;
	v0 =	vmul.f32 s7, v62;
	s13 =	sshrl.u32 s18, $0x1;
	s7 =	smul.f32 $5.000000000e-01, s18  }
0x143: {  	v16 =	vadd.f32 v16, v14;
	v3 =	vadd.f32 v3, v51;
	v1 =	vmul.f32 v1, v53;
	s9 =	smul.f32 s11, s12;
	s11 =	ssub.s32 $0x5F3759DF, s13  }
0x144: {  	v18 =	vmul.f32 v18, v5;
	v22 =	vadd.f32 v49, v14;
	[tilespmem:s15+$0xFFFFFFB0] =	vst v20;
	v20 =	vadd.f32 v63, v51;
	s22 =	smul.f32 s11, s7  }
0x145: {  	s17 =	sadd.s32 $0x100, s17;
	v1 =	vadd.f32 v1, v54;
	v0 =	vmul.f32 v0, v9;
	v23 =	vadd.f32 v56, v7  }
0x146: {  	[tilespmem:s17+$0x20] =	vst v2;
	v21 =	vadd.f32 v21, v55;
	v17 =	vadd.f32 v17, v7;
	s12 =	smul.f32 s11, s22  }
0x147: {  	[tilespmem:s15+$0xFFFFFFC0] =	vst v22;
	v18 =	vadd.f32 v18, v55;
	v0 =	vadd.f32 v0, v8;
	v59 =	vmov s3  }
0x148: {  	[tilespmem:s15+$0xFFFFFFF0] =	vst v20;
	v24 =	vsub.f32 v24, v59;
	v63 =	vsub.f32 v34, v59;
	v48 =	vmov s19;
	s12 =	ssub.f32 $1.500000000e+00, s12  }
0x149: {  	[tilespmem:s15+$0xFFFFFFE0] =	vst v21;
	v37 =	vsub.f32 v37, v48;
	v22 =	vmul.f32 s21, v45;
	v21 =	vmul.f32 s21, v46  }
0x14a: {  	[tilespmem:s15+$0xFFFFFFD0] =	vst v23;
	v25 =	vsub.f32 v25, v48;
	v23 =	vmul.f32 s21, v47;
	v20 =	vmul.f32 s21, v39;
	s11 =	smul.f32 s11, s12  }
0x14b: {  	[tilespmem:s17+$0x40] =	vst v16;
	v16 =	vsub.f32 v40, v48;
	v56 =	vmul.f32 s21, v41;
	v58 =	vmul.f32 s21, v42;
	s8 =	smul.f32 s9, s8  }
0x14c: {  	[tilespmem:s17+$0x30] =	vst v4;
	v60 =	vmul.f32 s21, v43;
	v61 =	vmul.f32 s21, v19;
	v19 =	vsub.f32 v26, v48;
	s21 =	smul.f32 s11, s7  }
0x14d: {  	[tilespmem:s17+$0x70] =	vst v3;
	v26 =	vsub.f32 v27, v48;
	v27 =	vsub.f32 v38, v48;
	s13 =	smul.f32 s8, s9  }
0x14e: {  	[tilespmem:s17+$0x10] =	vst v1;
	v62 =	vmul.f32 v22, v9;
	v22 =	vsub.f32 v29, v48;
	v4 =	vmul.f32 v21, v53;
	s3 =	smul.f32 s21, s11  }
0x14f: {  	[tilespmem:s17+$0x50] =	vst v17;
	v21 =	vsub.f32 v28, v48;
	v28 =	vsub.f32 v36, v59;
	v17 =	vmul.f32 v23, v12;
	s19 =	ssub.f32 $1.500000000e+00, s13  }
0x150: {  	[tilespmem:s17+$0x60] =	vst v18;
	v23 =	vsub.f32 v35, v59;
	v18 =	vmul.f32 v20, v15;
	v2 =	vadd.f32 v62, v8;
	s3 =	ssub.f32 $1.500000000e+00, s3  }
0x151: {  	[tilespmem:s17+$0x0] =	vst v0;
	v20 =	vsub.f32 v33, v59;
	v29 =	vmul.f32 v56, v11;
	v35 =	vadd.f32 v4, v54;
	s9 =	smul.f32 s19, s9  }
0x152: {  	v3 =	vmul.f32 v58, v6;
	v0 =	vmul.f32 v60, v5;
	v17 =	vadd.f32 v17, v13;
	[tilespmem:s17+$0xFFFFFF80] =	vst v2;
	s11 =	smul.f32 s3, s11  }
0x153: {  	v4 =	vsub.f32 v32, v59;
	v36 =	vadd.f32 v18, v10;
	[tilespmem:s17+$0xFFFFFF90] =	vst v35;
	v24 =	vmul.f32 s9, v24  }
0x154: {  	v1 =	vmul.f32 v61, v57;
	v38 =	vadd.f32 v3, v7;
	v0 =	vadd.f32 v0, v55;
	[tilespmem:s17+$0xFFFFFFA0] =	vst v17;
	s7 =	smul.f32 s11, s7  }
0x155: {  	v17 =	vadd.f32 v29, v14;
	[tilespmem:s17+$0xFFFFFFB0] =	vst v36;
	v18 =	vmul.f32 s9, v28;
	v24 =	vmul.f32 v24, v57  }
0x156: {  	v1 =	vadd.f32 v1, v51;
	[tilespmem:s17+$0xFFFFFFD0] =	vst v38;
	v23 =	vmul.f32 s9, v23;
	v39 =	vmul.f32 s9, v20;
	s7 =	smul.f32 s7, s11  }
0x157: {  	[tilespmem:s17+$0xFFFFFFC0] =	vst v17;
	v17 =	vmul.f32 s9, v63;
	v18 =	vmul.f32 v18, v9;
	v24 =	vadd.f32 v24, v51  }
0x158: {  	s22 =	sadd.s32 $0x100, s17;
	[tilespmem:s17+$0xFFFFFFE0] =	vst v0;
	v28 =	vsub.f32 v31, v59;
	v40 =	vmul.f32 s9, v4;
	v20 =	vmul.f32 v23, v53;
	s7 =	ssub.f32 $1.500000000e+00, s7  }
0x159: {  	v3 =	vmul.f32 v39, v12;
	v4 =	vadd.f32 v18, v8;
	[tilespmem:s22+$0x70] =	vst v24;
	v24 =	vsub.f32 v30, v59  }
0x15a: {  	[tilespmem:s17+$0xFFFFFFF0] =	vst v1;
	v17 =	vmul.f32 v17, v15;
	v42 =	vmul.f32 s9, v28;
	v18 =	vadd.f32 v20, v54;
	s7 =	smul.f32 s7, s11  }
0x15b: {  	v2 =	vmul.f32 v40, v11;
	v3 =	vadd.f32 v3, v13;
	[tilespmem:s22+$0x0] =	vst v4;
	v41 =	vmul.f32 s9, v24  }
0x15c: {  	v1 =	vmul.f32 v42, v5;
	v4 =	vadd.f32 v17, v10;
	[tilespmem:s22+$0x10] =	vst v18;
	v17 =	vmul.f32 s7, v37  }
0x15d: {  	v2 =	vadd.f32 v2, v14;
	[tilespmem:s22+$0x20] =	vst v3;
	v0 =	vmul.f32 v41, v6;
	v43 =	vmul.f32 s7, v25  }
0x15e: {  	v1 =	vadd.f32 v1, v55;
	[tilespmem:s22+$0x30] =	vst v4;
	v4 =	vmul.f32 s7, v19;
	v17 =	vmul.f32 v17, v9  }
0x15f: {  	[tilespmem:s22+$0x40] =	vst v2;
	v0 =	vadd.f32 v0, v7;
	v44 =	vmul.f32 s7, v26;
	v3 =	vmul.f32 v43, v53  }
0x160: {  	[tilespmem:s22+$0x60] =	vst v1;
	v45 =	vmul.f32 s7, v22;
	v4 =	vmul.f32 v4, v12;
	v17 =	vadd.f32 v17, v8  }
0x161: {  	[tilespmem:s22+$0x50] =	vst v0;
	v46 =	vmul.f32 s7, v21;
	v2 =	vmul.f32 v44, v15;
	v3 =	vadd.f32 v3, v54  }
0x162: {  	v18 =	vmul.f32 s7, v27;
	v0 =	vmul.f32 v45, v11;
	v4 =	vadd.f32 v4, v13;
	[tilespmem:s22+$0xFFFFFF80] =	vst v17  }
0x163: {  	v16 =	vmul.f32 s7, v16;
	v1 =	vmul.f32 v46, v6;
	v2 =	vadd.f32 v2, v10;
	[tilespmem:s22+$0xFFFFFF90] =	vst v3  }
0x164: {  	v47 =	vmul.f32 v18, v5;
	v0 =	vadd.f32 v0, v14;
	[tilespmem:s22+$0xFFFFFFA0] =	vst v4  }
0x165: {  	v1 =	vadd.f32 v1, v7;
	v4 =	vmul.f32 v16, v57;
	[tilespmem:s22+$0xFFFFFFB0] =	vst v2  }
0x166: {  	v48 =	vadd.f32 v47, v55;
	[tilespmem:s22+$0xFFFFFFC0] =	vst v0  }
0x167: {  	[tilespmem:s22+$0xFFFFFFD0] =	vst v1;
	v49 =	vadd.f32 v4, v51  }
0x168: {  	p0 =	seq.s32 s4, $0x3;
	s8 =	sshll.u32 s4, $0xC;
	[tilespmem:s22+$0xFFFFFFE0] =	vst v48  }
0x169: {  	p1 =	seq.s32 @!p0 s4, $0x0;
	s3 =	sadd.s32 s8, s10;
	s7 =	sshrl.u32 @!p0 s2, $0x2;
	[tilespmem:s22+$0xFFFFFFF0] =	vst v49  }
0x16a: {  	[hbm4b:s3+s6] =	stream.linear.scatter [tilespmem:s25], [sflag:$0x5], $0x4000, $0x38;
	[tilespmem:$0x1A900] =	vst v63  }
0x16b: {  	s9 =	simm.s32 @!p0 $0x80;
	s11 =	simm.s32 @!p0 $0x900;
	s8 =	sadd.s32 @!p0 $0x100, s7  }
0x16c: {  	[tilespmem:s11], [sflag:$0x1] =	stream.indirect.gather @!p0 [hbm4b:s1+s9], $0x80, s8, s9, $0xb8;
	[tilespmem:$0x1A900] =	vst v63  }
0x16d: {  	p1 =	por p0, !p1;
	s7 =	sadd.s32 @!p0 $0x500, s7;
	s8 =	simm.s32 @!p0 $0x8900  }
0x16e: {  	[tilespmem:s8], [sflag:$0x3] =	stream.indirect.gather @!p0 [spmem:s5], $0x80, s7, s9, $0xb8;
	[tilespmem:$0x1A900] =	vst v63  }
0x16f: {  	_ =	swait.ge @p1 [sflag:s31], $0x4000  }
0x170: {  	[sflag:s31] =	ssyncset.done @p1 $0x0  }
0x171: {  	[sflag:s31] =	ssyncadd.s32 @p1 $0xFFFFC000  }
0x172: {  	_ =	swait.ge [sflag:s26], $0x4000  }
0x173: {  	[sflag:s26] =	ssyncset.done $0x0  }
0x174: {  	[sflag:s26] =	ssyncadd.s32 $0xFFFFC000  }
0x175: {  	_ =	swait.ge [sflag:s28], $0x4000  }
0x176: {  	[sflag:s28] =	ssyncset.done $0x0  }
0x177: {  	s17 =	simm.s32 $0x0;
	[sflag:s28] =	ssyncadd.s32 $0xFFFFC000  }
0x178: {  	v50 =	vld [tilespmem:s17+$0x4980]  }
0x179: {  	v10 =	vmov v51;
	v51 =	vld [tilespmem:s17+$0xC980]  }
0x17a: {  	v52 =	vld [tilespmem:s17+$0x4990]  }
0x17b: {  	v8 =	vmov v53;
	v53 =	vld [tilespmem:s17+$0xC990]  }
0x17c: {  	v4 =	vld [tilespmem:s17+$0x49A0]  }
0x17d: {  	v16 =	vld [tilespmem:s17+$0xC9A0]  }
0x17e: {  	v17 =	vld [tilespmem:s17+$0x49B0]  }
0x17f: {  	v18 =	vld [tilespmem:s17+$0xC9B0]  }
0x180: {  	v19 =	vld [tilespmem:s17+$0x49C0]  }
0x181: {  	v20 =	vld [tilespmem:s17+$0xC9C0]  }
0x182: {  	v21 =	vld [tilespmem:s17+$0x49D0]  }
0x183: {  	v22 =	vld [tilespmem:s17+$0xC9D0]  }
0x184: {  	v23 =	vld [tilespmem:s17+$0x49E0]  }
0x185: {  	v24 =	vld [tilespmem:s17+$0xC9E0]  }
0x186: {  	v25 =	vld [tilespmem:s17+$0x49F0]  }
0x187: {  	v14 =	vmov v54;
	v54 =	vld [tilespmem:s17+$0xC9F0]  }
0x188: {  	v55 =	vld [tilespmem:s17+$0x4900]  }
0x189: {  	v56 =	vld [tilespmem:s17+$0xC900]  }
0x18a: {  	v5 =	vmov v57;
	v57 =	vld [tilespmem:s17+$0x4910]  }
0x18b: {  	v58 =	vld [tilespmem:s17+$0xC910]  }
0x18c: {  	v59 =	vld [tilespmem:s17+$0x4920];
	v32 =	vadd.f32 v51, v50;
	v30 =	vadd.f32 v53, v52  }
0x18d: {  	v60 =	vld [tilespmem:s17+$0xC920];
	v63 =	vadd.f32 v16, v4;
	v28 =	vadd.f32 v18, v17  }
0x18e: {  	v61 =	vld [tilespmem:s17+$0x4930];
	v29 =	vadd.f32 v20, v19;
	v27 =	vadd.f32 v22, v21  }
0x18f: {  	v44 =	vld [tilespmem:s17+$0x4950];
	v26 =	vadd.f32 v24, v23;
	v33 =	vadd.f32 v54, v25  }
0x190: {  	v47 =	vld [tilespmem:s17+$0xC960];
	v34 =	vadd.f32 v56, v55;
	v35 =	vadd.f32 v58, v57  }
0x191: {  	v48 =	vld [tilespmem:s17+$0x4970];
	v4 =	vadd.f32 v30, v32;
	v17 =	vadd.f32 v28, v63;
	v18 =	vmul.f32 v32, v32  }
0x192: {  	v16 =	vld [tilespmem:s17+$0xC930];
	v19 =	vadd.f32 v27, v29;
	v21 =	vmul.f32 v30, v30;
	v22 =	vmul.f32 v63, v63  }
0x193: {  	v20 =	vld [tilespmem:s17+$0x4940];
	v23 =	vadd.f32 v33, v26;
	v25 =	vmul.f32 v28, v28;
	v62 =	vmul.f32 v29, v29  }
0x194: {  	v24 =	vld [tilespmem:s17+$0xC940];
	v38 =	vadd.f32 v60, v59;
	v45 =	vmul.f32 v27, v27;
	v46 =	vmul.f32 v26, v26  }
0x195: {  	v49 =	vmul.f32 v34, v34;
	v4 =	vadd.f32 v17, v4;
	v17 =	vld [tilespmem:s17+$0xC950];
	v19 =	vadd.f32 v23, v19  }
0x196: {  	v50 =	vmul.f32 v35, v35;
	v18 =	vadd.f32 v21, v18;
	v21 =	vld [tilespmem:s17+$0x4960];
	v22 =	vadd.f32 v25, v22  }
0x197: {  	v23 =	vmul.f32 v33, v33;
	v25 =	vadd.f32 v45, v62;
	v4 =	vadd.f32 v19, v4;
	v19 =	vld [tilespmem:s17+$0xC970]  }
0x198: {  	v1 =	vadd.f32 v50, v49;
	v39 =	vadd.f32 v16, v61  }
0x199: {  	v36 =	vadd.f32 v24, v20;
	v23 =	vadd.f32 v23, v46  }
0x19a: {  	s15 =	simm.s32 $0x100;
	v16 =	vadd.f32 v35, v34;
	v18 =	vadd.f32 v22, v18;
	v20 =	vmul.f32 v39, v39  }
0x19b: {  	v54 =	vld [tilespmem:s15+$0x49A0];
	v52 =	vmul.f32 v36, v36;
	v22 =	vadd.f32 v23, v25;
	v41 =	vadd.f32 v17, v44  }
0x19c: {  	v55 =	vld [tilespmem:s15+$0x49B0];
	v17 =	vmul.f32 v38, v38;
	v43 =	vadd.f32 v47, v21;
	v37 =	vadd.f32 v19, v48  }
0x19d: {  	v56 =	vld [tilespmem:s15+$0xC9B0];
	v51 =	vadd.f32 v22, v18;
	v18 =	vadd.f32 v39, v38;
	v21 =	vmul.f32 v41, v41  }
0x19e: {  	v57 =	vld [tilespmem:s15+$0x49C0];
	v19 =	vadd.f32 v41, v36;
	v53 =	vmul.f32 v43, v43;
	v22 =	vmul.f32 v37, v37  }
0x19f: {  	v58 =	vld [tilespmem:s15+$0x49E0];
	v17 =	vadd.f32 v20, v17;
	v20 =	vadd.f32 v37, v43  }
0x1a0: {  	v59 =	vld [tilespmem:s15+$0xC9E0];
	v0 =	vadd.f32 v21, v52;
	v2 =	vadd.f32 v22, v53  }
0x1a1: {  	v60 =	vld [tilespmem:s15+$0x49F0];
	(xrf2) =	vadd.scan.msk.f32 $0xffff, v4;
	v16 =	vadd.f32 v18, v16;
	v18 =	vadd.f32 v20, v19  }
0x1a2: {  	v62 =	vld [tilespmem:s15+$0xC900];
	v1 =	vadd.f32 v17, v1;
	v0 =	vadd.f32 v2, v0  }
0x1a3: {  	v49 =	vld [tilespmem:s15+$0x4940];
	v4 =	vadd.f32 v18, v16  }
0x1a4: {  	v24 =	vld [tilespmem:s15+$0xC980];
	(xrf2) =	vadd.scan.msk.f32 $0xffff, v51;
	v0 =	vadd.f32 v0, v1  }
0x1a5: {  	v25 =	vld [tilespmem:s15+$0xC9D0];
	(xrf2) =	vadd.scan.msk.f32 $0xffff, v4  }
0x1a6: {  	v21 =	vld [tilespmem:s15+$0x4990];
	(xrf2) =	vadd.scan.msk.f32 $0xffff, v0  }
0x1a7: {  	v19 =	vld [tilespmem:s15+$0xC990]  }
0x1a8: {  	v20 =	vld [tilespmem:s15+$0x49D0]  }
0x1a9: {  	v16 =	vld [tilespmem:s15+$0xC9A0]  }
0x1aa: {  	v61 =	vld [tilespmem:s15+$0xC9F0]  }
0x1ab: {  	v17, _, _ =	vpop (xrf2);
	v4 =	vld [tilespmem:s15+$0xC9C0]  }
0x1ac: {  	v23 =	vld [tilespmem:s15+$0x4980];
	(v2sf) =	vpush v17, $0xF  }
0x1ad: {  	v46 =	vld [tilespmem:s15+$0x4900];
	v18 =	vadd.f32 v19, v21;
	v21 =	vadd.f32 v25, v20  }
0x1ae: {  	v48 =	vld [tilespmem:s15+$0x4910];
	v20 =	vadd.f32 v59, v58;
	v17, _, _ =	vpop (xrf2);
	v22 =	vadd.f32 v16, v54  }
0x1af: {  	v1 =	vld [tilespmem:s15+$0x4930];
	v16 =	vadd.f32 v56, v55;
	(v2sf) =	vpush v17, $0xF;
	v17, _, _ =	vpop (xrf2)  }
0x1b0: {  	v19 =	vadd.f32 v4, v57;
	v4 =	vld [tilespmem:s15+$0xC930];
	(v2sf) =	vpush v17, $0xF;
	v17, _, _ =	vpop (xrf2)  }
0x1b1: {  	v59 =	vmul.f32 v18, v18;
	(v2sf) =	vpush v17, $0xF;
	v17 =	vadd.f32 v24, v23;
	v24 =	vld [tilespmem:s15+$0xC910]  }
0x1b2: {  	v9 =	vadd.f32 v62, v46;
	v46 =	vld [tilespmem:s15+$0x4950];
	v47 =	vmul.f32 v21, v21;
	v54 =	vmul.f32 v19, v19  }
0x1b3: {  	v2 =	vld [tilespmem:s15+$0x4920];
	v62 =	vmul.f32 v20, v20;
	v25 =	vadd.f32 v16, v22;
	v23 =	vadd.f32 v61, v60  }
0x1b4: {  	v0 =	vld [tilespmem:s15+$0xC920];
	v50 =	vmul.f32 v22, v22;
	v58 =	vadd.f32 v21, v19;
	v47 =	vadd.f32 v47, v54  }
0x1b5: {  	v52 =	vld [tilespmem:s15+$0xC940];
	v53 =	vadd.f32 v4, v1;
	v61 =	vmul.f32 v16, v16;
	v60 =	vadd.f32 v23, v20  }
0x1b6: {  	v56 =	vld [tilespmem:s15+$0x4960];
	v3 =	vadd.f32 v18, v17;
	v57 =	vmul.f32 v17, v17;
	v7 =	vadd.f32 v24, v48  }
0x1b7: {  	v61 =	vadd.f32 v61, v50;
	v50 =	vld [tilespmem:s15+$0xC960];
	v51 =	vadd.f32 v60, v58;
	v60 =	vmul.f32 v23, v23  }
0x1b8: {  	v3 =	vadd.f32 v25, v3;
	v25 =	vld [tilespmem:s15+$0xC950];
	v42 =	vadd.f32 v59, v57;
	[tilespmem:$0x1FE60] =	vst v7  }
0x1b9: {  	v40 =	vmul.f32 v53, v53;
	v48 =	vadd.f32 v0, v2;
	v62 =	vadd.f32 v60, v62;
	v24 =	vld [tilespmem:s15+$0x4970]  }
0x1ba: {  	v0 =	vmul.f32 v9, v9;
	v3 =	vadd.f32 v51, v3;
	v42 =	vadd.f32 v61, v42;
	v57 =	vld [tilespmem:s15+$0xC970]  }
0x1bb: {  	v61 =	vadd.f32 v52, v49;
	v58 =	vmul.f32 v7, v7;
	v4 =	vadd.f32 v7, v9  }
0x1bc: {  	s9 =	spop (v2sf);
	v60 =	vmul.f32 v48, v48;
	v47 =	vadd.f32 v62, v47;
	v62 =	vadd.f32 v53, v48  }
0x1bd: {  	v12 =	vmovc v15;
	v15 =	vmov v6;
	s7 =	smul.f32 $7.812500000e-03, s9;
	v6 =	vadd.f32 v25, v46;
	v25 =	vadd.f32 v50, v56  }
0x1be: {  	[tilespmem:$0x1FE50] =	vst v9;
	v0 =	vadd.f32 v58, v0;
	v46 =	vadd.f32 v40, v60  }
0x1bf: {  	s18 =	simm.s32 $0x200;
	s12 =	smul.f32 s7, s7;
	s11 =	spop (v2sf);
	v59 =	vadd.f32 v47, v42;
	[tilespmem:$0x1FE70] =	vst v6;
	v24 =	vadd.f32 v57, v24  }
0x1c0: {  	s8 =	smul.f32 $7.812500000e-03, s11;
	(xrf2) =	vadd.scan.msk.f32 $0xffff, v3;
	v42 =	vmul.f32 v61, v61;
	v56 =	vadd.f32 v6, v61;
	v2 =	vld [tilespmem:s18+$0x4980];
	v57 =	vmul.f32 v6, v6  }
0x1c1: {  	v58 =	vmul.f32 v25, v25;
	(xrf2) =	vadd.scan.msk.f32 $0xffff, v59;
	v31 =	vld [tilespmem:s18+$0x49B0];
	s21 =	spop (v2sf);
	v59 =	vmul.f32 v24, v24;
	v60 =	vadd.f32 v24, v25  }
0x1c2: {  	s8 =	ssub.f32 s8, s12;
	v4 =	vadd.f32 v62, v4;
	s12 =	smul.f32 $7.812500000e-03, s21;
	v3 =	vadd.f32 v57, v42;
	v57 =	vld [tilespmem:s18+$0xC990]  }
0x1c3: {  	v1 =	vadd.f32 v59, v58;
	v62 =	vadd.f32 v60, v56;
	v56 =	vld [tilespmem:s18+$0xC980]  }
0x1c4: {  	v0 =	vadd.f32 v46, v0;
	v54 =	vmov s12;
	v58 =	vld [tilespmem:s18+$0xC9B0]  }
0x1c5: {  	s8 =	sadd.f32 $9.999999960e-13, s8;
	v51 =	vsub.f32 v34, v54;
	v34 =	vld [tilespmem:s18+$0x49C0];
	v1 =	vadd.f32 v1, v3  }
0x1c6: {  	v46 =	vsub.f32 v35, v54;
	v3 =	vld [tilespmem:s18+$0x4990];
	v4 =	vadd.f32 v62, v4  }
0x1c7: {  	s13 =	sshrl.u32 s8, $0x1;
	s8 =	smul.f32 $5.000000000e-01, s8;
	v47 =	vsub.f32 v39, v54;
	v0 =	vadd.f32 v1, v0;
	v1 =	vld [tilespmem:s18+$0x49A0]  }
0x1c8: {  	s9 =	ssub.s32 $0x5F3759DF, s13;
	v49 =	vsub.f32 v41, v54;
	(xrf2) =	vadd.scan.msk.f32 $0xffff, v4;
	v4 =	vld [tilespmem:s18+$0xC9A0];
	[tilespmem:$0x1FE10] =	vst v46  }
0x1c9: {  	s19 =	smul.f32 s9, s8;
	v50 =	vsub.f32 v43, v54;
	v59 =	vld [tilespmem:s18+$0xC9C0];
	[tilespmem:$0x1FE20] =	vst v47  }
0x1ca: {  	v55 =	vsub.f32 v38, v54;
	v38 =	vld [tilespmem:s18+$0x49D0];
	[tilespmem:$0x1FE30] =	vst v49  }
0x1cb: {  	s11 =	smul.f32 s9, s19;
	v52 =	vsub.f32 v36, v54;
	v35 =	vmov s7;
	v39 =	vld [tilespmem:s18+$0xC9D0];
	[tilespmem:$0x1FE40] =	vst v50  }
0x1cc: {  	s22 =	spop (v2sf);
	v54 =	vsub.f32 v37, v54;
	v40, _, _ =	vpop (xrf2);
	v60 =	vsub.f32 v33, v35;
	v41 =	vld [tilespmem:s18+$0x49E0]  }
0x1cd: {  	s12 =	smul.f32 s12, s12;
	v63 =	vsub.f32 v63, v35;
	s11 =	ssub.f32 $1.500000000e+00, s11;
	(v2sf) =	vpush v40, $0xF;
	(xrf2) =	vadd.scan.msk.f32 $0xffff, v0;
	v43 =	vld [tilespmem:s18+$0xC9E0]  }
0x1ce: {  	s19 =	smul.f32 $7.812500000e-03, s22;
	v45 =	vsub.f32 v26, v35;
	v62 =	vsub.f32 v30, v35;
	v30 =	vld [tilespmem:s18+$0x49F0]  }
0x1cf: {  	s9 =	smul.f32 s9, s11;
	v46 =	vsub.f32 v27, v35;
	v42, _, _ =	vpop (xrf2);
	v47 =	vsub.f32 v28, v35;
	v0 =	vld [tilespmem:s18+$0xC9F0]  }
0x1d0: {  	s13 =	ssub.f32 s19, s12;
	v37 =	vadd.f32 v56, v2;
	(v2sf) =	vpush v42, $0xF;
	v26 =	vld [tilespmem:s18+$0xC900]  }
0x1d1: {  	v33 =	vadd.f32 v58, v31;
	s19 =	smul.f32 s9, s8;
	v36 =	vadd.f32 v57, v3;
	v42 =	vld [tilespmem:s18+$0x4910]  }
0x1d2: {  	s11 =	sadd.f32 $9.999999960e-13, s13;
	v49 =	vsub.f32 v29, v35;
	v50 =	vsub.f32 v32, v35;
	v3 =	vld [tilespmem:s18+$0xC910]  }
0x1d3: {  	s21 =	smul.f32 s19, s9;
	v44 =	vld [tilespmem:s18+$0x4920];
	v35 =	vadd.f32 v4, v1;
	v4 =	vadd.f32 v36, v37  }
0x1d4: {  	s22 =	sshrl.u32 s11, $0x1;
	s7 =	smul.f32 $5.000000000e-01, s11;
	v40 =	vld [tilespmem:s18+$0xC920];
	v32 =	vadd.f32 v59, v34;
	v29 =	vadd.f32 v39, v38  }
0x1d5: {  	v58 =	vmul.f32 v33, v33;
	v56 =	vld [tilespmem:s18+$0xC930];
	s13 =	ssub.f32 $1.500000000e+00, s21;
	s21 =	ssub.s32 $0x5F3759DF, s22;
	v31 =	vadd.f32 v43, v41;
	v38 =	vadd.f32 v0, v30  }
0x1d6: {  	v2 =	vld [tilespmem:s18+$0x4940];
	s19 =	smul.f32 s21, s7;
	v30 =	vmul.f32 v37, v37;
	v41 =	vmul.f32 v36, v36;
	v28, _, _ =	vpop (xrf2);
	v39 =	vadd.f32 v29, v32  }
0x1d7: {  	s9 =	smul.f32 s13, s9;
	v43 =	vmul.f32 v35, v35;
	(v2sf) =	vpush v28, $0xF;
	v28 =	vld [tilespmem:s18+$0x4900];
	v57 =	vadd.f32 v38, v31;
	v27, _, _ =	vpop (xrf2)  }
0x1d8: {  	v1 =	vld [tilespmem:s18+$0xC940];
	s22 =	smul.f32 s21, s19;
	(v2sf) =	vpush v27, $0xF;
	v27 =	vadd.f32 v33, v35  }
0x1d9: {  	s8 =	smul.f32 s9, s8;
	v0 =	vmul.f32 v31, v31;
	v30 =	vadd.f32 v41, v30;
	v41 =	vadd.f32 v58, v43;
	v43 =	vld [tilespmem:s18+$0xC950]  }
0x1da: {  	s11 =	ssub.f32 $1.500000000e+00, s22;
	v39 =	vadd.f32 v57, v39;
	v57 =	vld [tilespmem:s18+$0x4950];
	v4 =	vadd.f32 v27, v4;
	v27 =	vmul.f32 v38, v38  }
0x1db: {  	v34 =	vld [tilespmem:s18+$0x4930];
	v59 =	vmul.f32 v32, v32;
	s8 =	smul.f32 s8, s9  }
0x1dc: {  	v58 =	vld [tilespmem:s18+$0x4960];
	s11 =	smul.f32 s21, s11;
	s13 =	spop (v2sf);
	v26 =	vadd.f32 v26, v28;
	v28 =	vmul.f32 v29, v29;
	v0 =	vadd.f32 v27, v0  }
0x1dd: {  	s22 =	smul.f32 $7.812500000e-03, s13;
	v27 =	vadd.f32 v3, v42;
	v3 =	vadd.f32 v39, v4;
	v4 =	vld [tilespmem:s18+$0xC960]  }
0x1de: {  	s13 =	smul.f32 s11, s7;
	v42 =	vld [tilespmem:s18+$0x4970];
	v28 =	vadd.f32 v28, v59;
	v59 =	vadd.f32 v41, v30  }
0x1df: {  	s21 =	smul.f32 s22, s22;
	s19 =	spop (v2sf);
	v30 =	vadd.f32 v40, v44;
	v40 =	vld [tilespmem:s18+$0xC970];
	v39 =	vadd.f32 v43, v57  }
0x1e0: {  	s12 =	smul.f32 $7.812500000e-03, s19;
	v44 =	vmul.f32 v26, v26;
	v0 =	vadd.f32 v0, v28;
	v28 =	vadd.f32 v56, v34  }
0x1e1: {  	s8 =	ssub.f32 $1.500000000e+00, s8;
	s13 =	smul.f32 s13, s11;
	v34 =	vadd.f32 v1, v2;
	v1 =	vmul.f32 v27, v27;
	v2 =	vadd.f32 v27, v26  }
0x1e2: {  	(xrf2) =	vadd.scan.msk.f32 $0xffff, v3;
	s12 =	ssub.f32 s12, s21;
	v56 =	vmul.f32 v30, v30;
	v41 =	vadd.f32 v4, v58;
	v4 =	vmul.f32 v28, v28  }
0x1e3: {  	s19 =	ssub.f32 $1.500000000e+00, s13;
	s21 =	smul.f32 s8, s9;
	v0 =	vadd.f32 v0, v59;
	v1 =	vadd.f32 v1, v44  }
0x1e4: {  	s12 =	sadd.f32 $9.999999960e-13, s12;
	v58 =	vmul.f32 v34, v34;
	v43 =	vadd.f32 v40, v42;
	v4 =	vadd.f32 v4, v56  }
0x1e5: {  	s11 =	smul.f32 s19, s11;
	v40 =	vadd.f32 v39, v34;
	v42 =	vmul.f32 s21, v60;
	v60 =	vmul.f32 v41, v41  }
0x1e6: {  	s13 =	sshrl.u32 s12, $0x1;
	s8 =	smul.f32 $5.000000000e-01, s12;
	v44 =	vadd.f32 v43, v41;
	v9 =	vadd.f32 v4, v1;
	v4 =	vmul.f32 v43, v43  }
0x1e7: {  	v3 =	vadd.f32 v28, v30;
	v59 =	vmul.f32 v39, v39;
	s7 =	smul.f32 s11, s7;
	s12 =	ssub.s32 $0x5F3759DF, s13;
	v42 =	vmul.f32 v42, v5  }
0x1e8: {  	v6 =	vld [tilespmem:$0x1FF10];
	s19 =	smul.f32 s12, s8;
	v40 =	vadd.f32 v44, v40;
	v44 =	vmul.f32 s21, v50;
	v4 =	vadd.f32 v4, v60  }
0x1e9: {  	s7 =	smul.f32 s7, s11;
	v50 =	vmul.f32 s21, v62;
	v62 =	vmul.f32 s21, v49;
	v49 =	vadd.f32 v42, v10;
	v10 =	vld [tilespmem:$0x1FF60]  }
0x1ea: {  	v2 =	vadd.f32 v3, v2;
	v3 =	vadd.f32 v59, v58;
	v5 =	vld [tilespmem:$0x1FF80];
	s13 =	spop (v2sf);
	s30 =	smul.f32 s12, s19  }
0x1eb: {  	s9 =	smul.f32 $7.812500000e-03, s13  }
0x1ec: {  	v11 =	vld [tilespmem:$0x1FF90];
	v45 =	vmul.f32 s21, v45;
	s13 =	ssub.f32 $1.500000000e+00, s30;
	s30 =	spop (v2sf);
	v3 =	vadd.f32 v4, v3;
	v4, _, _ =	vpop (xrf2)  }
0x1ed: {  	v60 =	vmul.f32 s21, v63;
	s30 =	smul.f32 $7.812500000e-03, s30;
	(v2sf) =	vpush v4, $0xF;
	v4 =	vmul.f32 v44, v6  }
0x1ee: {  	v63 =	vmul.f32 v50, v8;
	s12 =	smul.f32 s12, s13;
	v45 =	vmul.f32 v45, v10;
	v10 =	vld [tilespmem:$0x1FF20]  }
0x1ef: {  	v13 =	vld [tilespmem:$0x1FFA0];
	v46 =	vmul.f32 s21, v46;
	s7 =	ssub.f32 $1.500000000e+00, s7;
	s13 =	smul.f32 s9, s9;
	[tilespmem:s17+$0x149F0] =	vst v49;
	v4 =	vadd.f32 v4, v5  }
0x1f0: {  	v7 =	vmovc v8;
	v47 =	vmul.f32 s21, v47;
	v8 =	vmov v14;
	v44 =	vadd.f32 v63, v14;
	v14 =	vld [tilespmem:$0x1FF30]  }
0x1f1: {  	v46 =	vmul.f32 v46, v15;
	v1 =	vmov v15;
	v50 =	vmul.f32 v60, v11;
	v15 =	vld [tilespmem:$0x1FF40];
	s19 =	ssub.f32 s30, s13;
	s30 =	smul.f32 s7, s11;
	[tilespmem:s17+$0x14980] =	vst v4  }
0x1f2: {  	(xrf2) =	vadd.scan.msk.f32 $0xffff, v0;
	v4 =	vld [tilespmem:$0x1FF70]  }
0x1f3: {  	v47 =	vmul.f32 v47, v12;
	v49 =	vmul.f32 s30, v51;
	v42 =	vadd.f32 v50, v10;
	v51 =	vld [tilespmem:$0x1FE10];
	[tilespmem:s17+$0x14990] =	vst v44  }
0x1f4: {  	s13 =	smul.f32 s12, s8;
	v44 =	vld [tilespmem:$0x1FFB0]  }
0x1f5: {  	v2 =	vadd.f32 v40, v2;
	v40 =	vmul.f32 v62, v13;
	v0 =	vadd.f32 v47, v14;
	v56 =	vld [tilespmem:$0x1FE20];
	[tilespmem:s17+$0x149A0] =	vst v42  }
0x1f6: {  	s21 =	smul.f32 s13, s12;
	v42 =	vld [tilespmem:$0x1FE30]  }
0x1f7: {  	s13 =	sadd.f32 $9.999999960e-13, s19;
	v40 =	vadd.f32 v40, v15;
	v58 =	vld [tilespmem:$0x1FE40];
	[tilespmem:s17+$0x149B0] =	vst v0  }
0x1f8: {  	s21 =	ssub.f32 $1.500000000e+00, s21;
	v0 =	vld [tilespmem:$0x1FE50];
	v4 =	vadd.f32 v46, v4  }
0x1f9: {  	v57 =	vmul.f32 s30, v55;
	s19 =	sshrl.u32 s13, $0x1;
	s7 =	smul.f32 $5.000000000e-01, s13;
	v59 =	vld [tilespmem:$0x1FE60];
	[tilespmem:s17+$0x149C0] =	vst v40;
	v60 =	vadd.f32 v45, v44  }
0x1fa: {  	v63 =	vmul.f32 s30, v52;
	s13 =	ssub.s32 $0x5F3759DF, s19;
	s11 =	smul.f32 s21, s12;
	v62 =	vmul.f32 s30, v56;
	[tilespmem:s17+$0x149D0] =	vst v4  }
0x1fb: {  	v52 =	vmov s9;
	v57 =	vmul.f32 v57, v11;
	s19 =	smul.f32 s13, s7;
	v50 =	vmul.f32 s30, v51;
	[tilespmem:s17+$0x149E0] =	vst v60  }
0x1fc: {  	v40 =	vsub.f32 v61, v52;
	s8 =	smul.f32 s11, s8;
	v61, _, _ =	vpop (xrf2);
	v51 =	vmul.f32 s30, v54;
	v54 =	vmul.f32 v62, v12;
	v62 =	vld [tilespmem:$0x1FE70]  }
0x1fd: {  	s21 =	smul.f32 s13, s19;
	(v2sf) =	vpush v61, $0xF;
	v44 =	vsub.f32 v53, v52;
	v53 =	vmul.f32 v63, v13  }
0x1fe: {  	v45 =	vsub.f32 v48, v52;
	v55 =	vmul.f32 s30, v42;
	v58 =	vmul.f32 s30, v58  }
0x1ff: {  	s8 =	smul.f32 s8, s11;
	s9 =	ssub.f32 $1.500000000e+00, s21;
	v56 =	vmul.f32 v50, v7;
	v46 =	vsub.f32 v0, v52;
	v47 =	vsub.f32 v59, v52  }
0x200: {  	s19 =	simm.s32 $0x4;
	(xrf2) =	vadd.scan.msk.f32 $0xffff, v2;
	v59 =	vmul.f32 v49, v6;
	v60 =	vadd.f32 v3, v9;
	v49 =	vmov s22;
	v9 =	vmovc v11  }
0x201: {  	s21 =	simm.s32 $0xC00;
	s30 =	ssub.f32 $1.500000000e+00, s8;
	s12 =	smul.f32 s13, s9;
	v11 =	vmovc v12;
	v12 =	vmovc v14;
	v14 =	vmov v15;
	v15 =	vmov v1;
	v42 =	vsub.f32 v62, v52  }
.LBB2_5:
0x202: {  	v61 =	vld [tilespmem:$0x1FF60]  }
0x203: {  	v5 =	vld [tilespmem:$0x1FFC0]  }
0x204: {  	v63 =	vld [tilespmem:$0x1FF80]  }
0x205: {  	s9 =	sshra.s32 s21, $0x2;
	v62 =	vld [tilespmem:$0x1FFD0]  }
0x206: {  	v50 =	vsub.f32 v25, v52;
	v0 =	vsub.f32 v23, v49;
	v2 =	vld [tilespmem:s9+$0x4980]  }
0x207: {  	v48 =	vsub.f32 v24, v52;
	v3 =	vsub.f32 v17, v49;
	v17 =	vmov v37;
	s11 =	smul.f32 s30, s11;
	v37 =	vld [tilespmem:s9+$0xC980]  }
0x208: {  	v1 =	vmul.f32 v55, v15;
	v24 =	vsub.f32 v18, v49;
	v25 =	vsub.f32 v22, v49;
	v18 =	vmovc v36;
	v36 =	vld [tilespmem:s9+$0x4990]  }
0x209: {  	v23 =	vmovc v38;
	v38 =	vsub.f32 v16, v49;
	v52 =	vsub.f32 v19, v49;
	v16 =	vmovc v33;
	v33 =	vld [tilespmem:s9+$0xC990];
	v0 =	vmul.f32 s11, v0  }
0x20a: {  	v22 =	vmovc v35;
	v55 =	vsub.f32 v20, v49;
	v19 =	vmov v32;
	(xrf2) =	vadd.scan.msk.f32 $0xffff, v60;
	v32 =	vld [tilespmem:s9+$0x49A0];
	v60 =	vmul.f32 s11, v25  }
0x20b: {  	v35 =	vsub.f32 v21, v49;
	v21 =	vmovc v29;
	v20 =	vmovc v31;
	s8 =	smul.f32 s12, s7;
	v29 =	vld [tilespmem:s9+$0xC9A0];
	v31 =	vmul.f32 s11, v38;
	v0 =	vmul.f32 v0, v5  }
0x20c: {  	v49 =	vmovc v39;
	v39 =	vld [tilespmem:s9+$0x49B0];
	v38 =	vmul.f32 s11, v52;
	v52 =	vadd.f32 v56, v8;
	v25 =	vmovc v41;
	v41 =	vmul.f32 s11, v55  }
0x20d: {  	s8 =	smul.f32 s8, s12;
	v4 =	vmul.f32 v58, v61;
	v58 =	vmul.f32 s11, v24;
	v24 =	vmovc v43;
	v43 =	vld [tilespmem:s9+$0xC9B0];
	v0 =	vadd.f32 v0, v62  }
0x20e: {  	v51 =	vmul.f32 v51, v5;
	[tilespmem:s17+$0x14910] =	vst v52;
	v5 =	vld [tilespmem:$0x1FF70]  }
0x20f: {  	s8 =	ssub.f32 $1.500000000e+00, s8;
	v59 =	vadd.f32 v59, v63;
	v52 =	vadd.f32 v53, v14;
	v41 =	vmul.f32 v41, v61;
	v61 =	vld [tilespmem:$0x1FFB0];
	[tilespmem:s15+$0x149F0] =	vst v0  }
0x210: {  	v51 =	vadd.f32 v51, v62;
	v0 =	vadd.f32 v57, v10;
	v55 =	vld [tilespmem:s9+$0x49C0]  }
0x211: {  	s8 =	smul.f32 s8, s12;
	[tilespmem:s17+$0x14900] =	vst v59;
	v56, _, _ =	vpop (xrf2);
	v57 =	vmul.f32 v58, v7;
	v58 =	vmul.f32 v60, v9;
	v60 =	vadd.f32 v54, v12;
	v54 =	vld [tilespmem:s9+$0xC9C0]  }
0x212: {  	[tilespmem:s17+$0x14940] =	vst v52;
	(v2sf) =	vpush v56, $0xF;
	v56 =	vld [tilespmem:s9+$0xC9D0]  }
0x213: {  	v3 =	vmul.f32 s11, v3;
	s13 =	smul.f32 s8, s7;
	[tilespmem:s17+$0x14970] =	vst v51;
	v59 =	vld [tilespmem:s9+$0x49E0]  }
0x214: {  	v1 =	vadd.f32 v1, v5;
	v52 =	vld [tilespmem:s9+$0xC9E0];
	[tilespmem:s17+$0x14920] =	vst v0;
	v53, _, _ =	vpop (xrf2)  }
0x215: {  	v3 =	vmul.f32 v3, v6;
	v0 =	vld [tilespmem:s9+$0x49D0];
	s7 =	smul.f32 s13, s8;
	[tilespmem:s17+$0x14930] =	vst v60;
	v4 =	vadd.f32 v4, v61;
	(v2sf) =	vpush v53, $0xF;
	s22 =	spop (v2sf)  }
0x216: {  	v31 =	vmul.f32 v31, v11;
	v37 =	vadd.f32 v37, v2;
	[tilespmem:s17+$0x14950] =	vst v1;
	v1 =	vld [tilespmem:s9+$0x49F0];
	s22 =	smul.f32 $7.812500000e-03, s22;
	s12 =	spop (v2sf)  }
0x217: {  	v35 =	vmul.f32 s11, v35;
	v36 =	vadd.f32 v33, v36;
	v3 =	vadd.f32 v3, v63;
	[tilespmem:s17+$0x14960] =	vst v4;
	v4 =	vld [tilespmem:s9+$0xC9F0];
	s17 =	smov.u32 s15;
	s11 =	smul.f32 $7.812500000e-03, s12  }
0x218: {  	v38 =	vmul.f32 v38, v13;
	v31 =	vadd.f32 v31, v12;
	v33 =	vadd.f32 v43, v39;
	s15 =	smov.u32 s18;
	s18 =	smov.u32 s9;
	v51 =	vld [tilespmem:s9+$0x4900];
	s13 =	smul.f32 s22, s22  }
0x219: {  	v35 =	vmul.f32 v35, v15;
	v43 =	vadd.f32 v36, v37;
	v53 =	vadd.f32 v57, v8;
	s7 =	ssub.f32 $1.500000000e+00, s7;
	v63 =	vld [tilespmem:s18+$0xC900]  }
0x21a: {  	v57 =	vadd.f32 v58, v10;
	v58 =	vadd.f32 v38, v14;
	[tilespmem:s17+$0x14980] =	vst v3;
	v2 =	vld [tilespmem:s18+$0x4910];
	s11 =	ssub.f32 s11, s13  }
0x21b: {  	v60 =	vadd.f32 v35, v5;
	v35 =	vadd.f32 v29, v32;
	[tilespmem:s17+$0x14990] =	vst v53;
	v39 =	vld [tilespmem:s18+$0xC910]  }
0x21c: {  	v62 =	vadd.f32 v41, v61;
	[tilespmem:s17+$0x149C0] =	vst v58;
	v3 =	vld [tilespmem:s18+$0xC930];
	v58 =	vmul.f32 v33, v33;
	s8 =	smul.f32 s7, s8;
	v32 =	vadd.f32 v54, v55;
	s7 =	sadd.f32 $9.999999960e-13, s11  }
0x21d: {  	[tilespmem:s17+$0x149B0] =	vst v31;
	v41 =	vld [tilespmem:s18+$0x4940];
	v55 =	vmul.f32 v36, v36;
	v29 =	vadd.f32 v56, v0;
	v56 =	vmul.f32 v35, v35  }
0x21e: {  	[tilespmem:s17+$0x149E0] =	vst v62;
	v62 =	vld [tilespmem:s18+$0xC940];
	v31 =	vadd.f32 v52, v59;
	v53 =	vmul.f32 s8, v46;
	v54 =	vmul.f32 s8, v47;
	s12 =	sshrl.u32 s7, $0x1;
	s9 =	smul.f32 $5.000000000e-01, s7  }
0x21f: {  	v46 =	vmul.f32 v37, v37;
	v47 =	vld [tilespmem:s18+$0x4930];
	v59 =	vmul.f32 v32, v32;
	v38 =	vadd.f32 v4, v1;
	s7 =	ssub.s32 $0x5F3759DF, s12  }
0x220: {  	[tilespmem:s17+$0x149A0] =	vst v57;
	v0 =	vld [tilespmem:s18+$0x4920];
	v1 =	vmul.f32 s8, v45;
	v45 =	vadd.f32 v33, v35;
	v52 =	vadd.f32 v29, v32;
	s11 =	smul.f32 s7, s9  }
0x221: {  	[tilespmem:s17+$0x149D0] =	vst v60;
	v61 =	vmul.f32 v31, v31;
	v4 =	vld [tilespmem:s18+$0xC920];
	v60 =	vadd.f32 v63, v51;
	v57 =	vadd.f32 v38, v31  }
0x222: {  	v51 =	vmul.f32 v29, v29;
	v46 =	vadd.f32 v55, v46;
	v55 =	vadd.f32 v58, v56;
	v56 =	vld [tilespmem:s18+$0xC950];
	s13 =	spop (v2sf);
	s11 =	smul.f32 s7, s11  }
0x223: {  	v43 =	vadd.f32 v45, v43;
	v45 =	vadd.f32 v57, v52;
	v52 =	vmul.f32 v38, v38;
	v57 =	vld [tilespmem:s18+$0x4950];
	s12 =	smul.f32 $7.812500000e-03, s13  }
0x224: {  	v5 =	vmul.f32 s8, v40;
	v2 =	vadd.f32 v39, v2;
	v3 =	vadd.f32 v3, v47;
	v47 =	vld [tilespmem:s18+$0xC970];
	s13 =	spop (v2sf);
	s11 =	ssub.f32 $1.500000000e+00, s11  }
0x225: {  	v51 =	vadd.f32 v51, v59;
	v58 =	vadd.f32 v52, v61;
	v61 =	vmul.f32 s8, v44;
	v44 =	vld [tilespmem:s18+$0x4960];
	s13 =	smul.f32 $7.812500000e-03, s13  }
0x226: {  	v63 =	vmul.f32 v60, v60;
	v55 =	vadd.f32 v55, v46;
	v39 =	vadd.f32 v45, v43;
	v43 =	vld [tilespmem:s18+$0xC960];
	s11 =	smul.f32 s7, s11  }
0x227: {  	v40 =	vmul.f32 v2, v2;
	v0 =	vadd.f32 v4, v0;
	v4 =	vld [tilespmem:s18+$0x4970];
	v59 =	vadd.f32 v58, v51;
	s7 =	smul.f32 s12, s12  }
0x228: {  	v62 =	vadd.f32 v62, v41;
	v52 =	vmov s12;
	s12 =	smul.f32 s11, s9  }
0x229: {  	v40 =	vadd.f32 v40, v63;
	v45 =	vmul.f32 v0, v0;
	v41 =	vadd.f32 v59, v55;
	s7 =	ssub.f32 s13, s7  }
0x22a: {  	v46 =	vadd.f32 v3, v0;
	(xrf2) =	vadd.scan.msk.f32 $0xffff, v39;
	v51 =	vmul.f32 v3, v3;
	v39 =	vadd.f32 v56, v57;
	s12 =	smul.f32 s12, s11  }
0x22b: {  	v55 =	vmul.f32 s8, v42;
	v42 =	vadd.f32 v2, v60;
	(xrf2) =	vadd.scan.msk.f32 $0xffff, v41;
	v41 =	vadd.f32 v43, v44;
	s7 =	sadd.f32 $9.999999960e-13, s7  }
0x22c: {  	v56 =	vmul.f32 v62, v62;
	v44 =	vadd.f32 v39, v62;
	v43 =	vadd.f32 v47, v4;
	s12 =	ssub.f32 $1.500000000e+00, s12  }
0x22d: {  	v57 =	vmul.f32 v39, v39;
	v42 =	vadd.f32 v46, v42;
	v4 =	vadd.f32 v51, v45;
	s13 =	sshrl.u32 s7, $0x1;
	s7 =	smul.f32 $5.000000000e-01, s7  }
0x22e: {  	v46 =	vsub.f32 v26, v52;
	v51 =	vmul.f32 s8, v48;
	v48 =	vadd.f32 v43, v41;
	s13 =	ssub.s32 $0x5F3759DF, s13;
	s11 =	smul.f32 s12, s11  }
0x22f: {  	v58 =	vmul.f32 s8, v50;
	v26 =	vmovc v60;
	v47 =	vsub.f32 v27, v52;
	v63 =	vadd.f32 v57, v56;
	s12 =	smul.f32 s13, s7  }
0x230: {  	s19 =	sadd.s32 $0x2, s19;
	v27 =	vmovc v2;
	v50 =	vmul.f32 v41, v41;
	v60 =	vmul.f32 v43, v43;
	v2 =	vadd.f32 v48, v44;
	s9 =	smul.f32 s11, s9  }
0x231: {  	p1 =	slt.u32 s19, $0x7E;
	v59 =	vmul.f32 v53, v6;
	v4 =	vadd.f32 v4, v40;
	v40 =	vsub.f32 v34, v52;
	s8 =	smul.f32 s13, s12  }
.Ltmp3:
0x232: {  	v53 =	vmul.f32 v5, v13;
	v48 =	vadd.f32 v60, v50;
	v34 =	vadd.f32 v2, v42;
	(pc) =	sbr.rel @p1 .LBB2_5-.Ltmp3, $4  }
0x233: {  	v45 =	vsub.f32 v30, v52;
	v30 =	vmovc v0;
	v56 =	vmul.f32 v54, v7;
	v57 =	vmul.f32 v1, v9  }
0x234: {  	v54 =	vmul.f32 v61, v11;
	v44 =	vsub.f32 v28, v52;
	v60, _, _ =	vpop (xrf2);
	v48 =	vadd.f32 v48, v63;
	s9 =	smul.f32 s9, s11;
	s8 =	ssub.f32 $1.500000000e+00, s8  }
0x235: {  	v28 =	vmov v3;
	v42 =	vsub.f32 v49, v52;
	(v2sf) =	vpush v60, $0xF;
	v50, _, _ =	vpop (xrf2)  }
0x236: {  	s21 =	sadd.s32 $0x400, s21;
	v49 =	vmov s22;
	v60 =	vadd.f32 v48, v4;
	(xrf2) =	vadd.scan.msk.f32 $0xffff, v34;
	v34 =	vmovc v62;
	(v2sf) =	vpush v50, $0xF;
	s30 =	ssub.f32 $1.500000000e+00, s9;
	s12 =	smul.f32 s13, s8  }
0x237: {  	_ =	sdelay $0x1  }
0x238: {  	(xrf2) =	vadd.scan.msk.f32 $0xffff, v60;
	_ =	sdelay $0x7  }
0x239: {  	v0, _, _ =	vpop (xrf2)  }
0x23a: {  	(v2sf) =	vpush v0, $0xF  }
0x23b: {  	v63, _, _ =	vpop (xrf2)  }
0x23c: {  	s9 =	smul.f32 s12, s7;
	(v2sf) =	vpush v63, $0xF;
	s8 =	spop (v2sf)  }
0x23d: {  	s8 =	smul.f32 $7.812500000e-03, s8;
	s13 =	spop (v2sf)  }
0x23e: {  	s13 =	smul.f32 $7.812500000e-03, s13  }
0x23f: {  	s19 =	smul.f32 s8, s8  }
0x240: {  	s9 =	smul.f32 s9, s12  }
0x241: {  	s13 =	ssub.f32 s13, s19  }
0x242: {  	s9 =	ssub.f32 $1.500000000e+00, s9  }
0x243: {  	s11 =	smul.f32 s30, s11;
	s13 =	sadd.f32 $9.999999960e-13, s13  }
0x244: {  	s12 =	smul.f32 s9, s12  }
0x245: {  	s21 =	sshrl.u32 s13, $0x1;
	s9 =	smul.f32 $5.000000000e-01, s13  }
0x246: {  	s22 =	smul.f32 s12, s7;
	s30 =	ssub.s32 $0x5F3759DF, s21  }
0x247: {  	s19 =	smul.f32 s30, s9  }
0x248: {  	s7 =	smul.f32 s22, s12  }
0x249: {  	v23 =	vsub.f32 v23, v49;
	v1 =	vsub.f32 v17, v49;
	s21 =	spop (v2sf);
	s19 =	smul.f32 s30, s19  }
0x24a: {  	v2 =	vsub.f32 v18, v49;
	v3 =	vsub.f32 v22, v49;
	s21 =	smul.f32 $7.812500000e-03, s21  }
0x24b: {  	v4 =	vsub.f32 v16, v49;
	v5 =	vsub.f32 v19, v49;
	s22 =	spop (v2sf);
	s19 =	ssub.f32 $1.500000000e+00, s19  }
0x24c: {  	v48 =	vsub.f32 v21, v49;
	v60 =	vmul.f32 v55, v15;
	v1 =	vmul.f32 s11, v1;
	s22 =	smul.f32 $7.812500000e-03, s22  }
0x24d: {  	v50 =	vsub.f32 v20, v49;
	v55 =	vld [tilespmem:$0x1FF80];
	v2 =	vmul.f32 s11, v2;
	v3 =	vmul.f32 s11, v3;
	s13 =	smul.f32 s30, s19  }
0x24e: {  	v18 =	vsub.f32 v25, v52;
	v4 =	vmul.f32 s11, v4;
	v5 =	vmul.f32 s11, v5;
	s19 =	smul.f32 s21, s21  }
0x24f: {  	v20 =	vsub.f32 v24, v52;
	v16 =	vmul.f32 s11, v48;
	v17 =	vmul.f32 s11, v50;
	v48 =	vld [tilespmem:$0x1FFC0];
	s7 =	ssub.f32 $1.500000000e+00, s7  }
0x250: {  	v49 =	vadd.f32 v57, v10;
	v50 =	vld [tilespmem:$0x1FF60];
	v1 =	vmul.f32 v1, v6;
	v2 =	vmul.f32 v2, v7;
	s19 =	ssub.f32 s22, s19  }
0x251: {  	v57 =	vadd.f32 v54, v12;
	v3 =	vmul.f32 v3, v9;
	v4 =	vmul.f32 v4, v11;
	s30 =	smul.f32 s13, s9  }
0x252: {  	v52 =	vld [tilespmem:$0x1FFD0];
	v61 =	vadd.f32 v59, v55;
	v1 =	vadd.f32 v1, v55;
	v0 =	vmul.f32 s11, v23;
	s12 =	smul.f32 s7, s12;
	s11 =	sadd.f32 $9.999999960e-13, s19  }
0x253: {  	[tilespmem:s17+$0x14920] =	vst v49;
	v5 =	vmul.f32 v5, v13;
	v2 =	vadd.f32 v2, v8;
	v63 =	vadd.f32 v56, v8;
	s22 =	smul.f32 s30, s13  }
0x254: {  	v16 =	vmul.f32 v16, v15;
	v3 =	vadd.f32 v3, v10;
	v4 =	vadd.f32 v4, v12;
	[tilespmem:s17+$0x14900] =	vst v61;
	s30 =	sshrl.u32 s11, $0x1;
	s7 =	smul.f32 $5.000000000e-01, s11  }
0x255: {  	v5 =	vadd.f32 v5, v14;
	v62 =	vmul.f32 v58, v50;
	v0 =	vmul.f32 v0, v48;
	[tilespmem:s17+$0x14910] =	vst v63;
	s19 =	ssub.f32 $1.500000000e+00, s22;
	s30 =	ssub.s32 $0x5F3759DF, s30  }
0x256: {  	v58 =	vadd.f32 v53, v14;
	v56 =	vmul.f32 v51, v48;
	v49 =	vld [tilespmem:$0x1FF70];
	v24 =	vmov s21;
	s21 =	smul.f32 s30, s7  }
0x257: {  	v17 =	vmul.f32 v17, v50;
	v0 =	vadd.f32 v0, v52;
	v51 =	vld [tilespmem:$0x1FFB0];
	[tilespmem:s17+$0x14930] =	vst v57;
	v61 =	vmul.f32 s12, v47;
	s11 =	smul.f32 s19, s13  }
0x258: {  	v59 =	vadd.f32 v56, v52;
	[tilespmem:s17+$0x14940] =	vst v58;
	v63 =	vmul.f32 s12, v44;
	v25 =	vmul.f32 s12, v40;
	s19 =	smul.f32 s30, s21  }
0x259: {  	[tilespmem:s15+$0x149F0] =	vst v0;
	v0 =	vmul.f32 s12, v42;
	v18 =	vmul.f32 s12, v18;
	v44 =	vmov s8;
	s9 =	smul.f32 s11, s9  }
0x25a: {  	[tilespmem:s17+$0x14970] =	vst v59;
	v20 =	vmul.f32 s12, v20;
	v59 =	vsub.f32 v37, v44;
	v33 =	vsub.f32 v33, v44;
	s19 =	ssub.f32 $1.500000000e+00, s19  }
0x25b: {  	[tilespmem:s15+$0x149B0] =	vst v4;
	v32 =	vsub.f32 v32, v44;
	v4 =	vmul.f32 v61, v7;
	v61 =	vsub.f32 v36, v44;
	s9 =	smul.f32 s9, s11  }
0x25c: {  	[tilespmem:s15+$0x14980] =	vst v1;
	v25 =	vmul.f32 v25, v13;
	v0 =	vmul.f32 v0, v15;
	v36 =	vsub.f32 v31, v44;
	s13 =	smul.f32 s30, s19  }
0x25d: {  	[tilespmem:s15+$0x14990] =	vst v2;
	v18 =	vmul.f32 v18, v50;
	v19 =	vadd.f32 v60, v49;
	v22 =	vadd.f32 v62, v51;
	s9 =	ssub.f32 $1.500000000e+00, s9  }
0x25e: {  	[tilespmem:s15+$0x149A0] =	vst v3;
	v60 =	vmul.f32 s12, v46;
	v16 =	vadd.f32 v16, v49;
	v17 =	vadd.f32 v17, v51;
	s30 =	smul.f32 s13, s7  }
0x25f: {  	[tilespmem:s15+$0x149C0] =	vst v5;
	v62 =	vmul.f32 s12, v45;
	v46 =	vsub.f32 v38, v44;
	v4 =	vadd.f32 v4, v8;
	s22 =	smul.f32 s9, s11  }
0x260: {  	v20 =	vmul.f32 v20, v48;
	v37 =	vadd.f32 v25, v14;
	v0 =	vadd.f32 v0, v49;
	[tilespmem:s17+$0x14950] =	vst v19;
	s9 =	smul.f32 s30, s13  }
0x261: {  	v18 =	vadd.f32 v18, v51;
	[tilespmem:s17+$0x14960] =	vst v22;
	v19 =	vmul.f32 v60, v6;
	v60 =	vmul.f32 v62, v9  }
0x262: {  	v20 =	vadd.f32 v20, v52;
	[tilespmem:s15+$0x149D0] =	vst v16;
	v62 =	vmul.f32 v63, v11;
	v63 =	vsub.f32 v35, v44;
	s9 =	ssub.f32 $1.500000000e+00, s9  }
0x263: {  	[tilespmem:s15+$0x149E0] =	vst v17;
	v19 =	vadd.f32 v19, v55;
	v16 =	vadd.f32 v60, v10  }
0x264: {  	[tilespmem:s15+$0x14910] =	vst v4;
	v4 =	vadd.f32 v62, v12;
	v45 =	vsub.f32 v26, v24;
	s9 =	smul.f32 s9, s13  }
0x265: {  	[tilespmem:s15+$0x14940] =	vst v37;
	v47 =	vsub.f32 v27, v24;
	v53 =	vsub.f32 v30, v24  }
0x266: {  	[tilespmem:s15+$0x14950] =	vst v0;
	v54 =	vsub.f32 v28, v24;
	v56 =	vsub.f32 v34, v24;
	v26 =	vmul.f32 s22, v46;
	s7 =	smul.f32 s9, s7  }
0x267: {  	[tilespmem:s15+$0x14960] =	vst v18;
	v57 =	vsub.f32 v39, v24;
	v58 =	vsub.f32 v41, v24;
	v35 =	vmul.f32 s22, v59  }
0x268: {  	[tilespmem:s15+$0x14970] =	vst v20;
	v5 =	vsub.f32 v43, v24;
	v23 =	vmul.f32 s22, v61;
	v26 =	vmul.f32 v26, v48;
	s7 =	smul.f32 s7, s9  }
0x269: {  	[tilespmem:s15+$0x14930] =	vst v4;
	v34 =	vsub.f32 v29, v44;
	v4 =	vmul.f32 s22, v63;
	v17 =	vmul.f32 v35, v6  }
0x26a: {  	[tilespmem:s15+$0x14900] =	vst v19;
	v38 =	vmul.f32 s22, v33;
	v39 =	vmul.f32 v23, v7;
	v26 =	vadd.f32 v26, v52;
	s7 =	ssub.f32 $1.500000000e+00, s7  }
0x26b: {  	[tilespmem:s15+$0x14920] =	vst v16;
	v40 =	vmul.f32 s22, v32;
	v4 =	vmul.f32 v4, v9;
	v17 =	vadd.f32 v17, v55  }
0x26c: {  	v41 =	vmul.f32 s22, v34;
	v16 =	vmul.f32 v38, v11;
	v42 =	vadd.f32 v39, v8;
	[tilespmem:s18+$0x149F0] =	vst v26;
	s7 =	smul.f32 s7, s9  }
0x26d: {  	v43 =	vmul.f32 s22, v36;
	v0 =	vmul.f32 v40, v13;
	v4 =	vadd.f32 v4, v10;
	[tilespmem:s18+$0x14980] =	vst v17  }
0x26e: {  	v44 =	vmul.f32 v41, v15;
	v16 =	vadd.f32 v16, v12;
	[tilespmem:s18+$0x14990] =	vst v42;
	v1 =	vmul.f32 s7, v45  }
0x26f: {  	v0 =	vadd.f32 v0, v14;
	[tilespmem:s18+$0x149A0] =	vst v4;
	v45 =	vmul.f32 v43, v50;
	v2 =	vmul.f32 s7, v47  }
0x270: {  	v4 =	vadd.f32 v44, v49;
	[tilespmem:s18+$0x149B0] =	vst v16;
	v46 =	vmul.f32 s7, v53;
	v1 =	vmul.f32 v1, v6  }
0x271: {  	[tilespmem:s18+$0x149C0] =	vst v0;
	v53 =	vmul.f32 s7, v54;
	v47 =	vadd.f32 v45, v51;
	v2 =	vmul.f32 v2, v7  }
0x272: {  	[tilespmem:s18+$0x149D0] =	vst v4;
	v54 =	vmul.f32 s7, v56;
	v4 =	vmul.f32 v46, v9;
	v1 =	vadd.f32 v1, v55  }
0x273: {  	v56 =	vmul.f32 s7, v57;
	v0 =	vmul.f32 v53, v11;
	[tilespmem:s18+$0x149E0] =	vst v47;
	v2 =	vadd.f32 v2, v8  }
0x274: {  	v57 =	vmul.f32 s7, v58;
	v3 =	vmul.f32 v54, v13;
	v58 =	vadd.f32 v4, v10;
	[tilespmem:s18+$0x14900] =	vst v1  }
0x275: {  	v4 =	vmul.f32 s7, v5;
	v5 =	vmul.f32 v56, v15;
	v0 =	vadd.f32 v0, v12;
	[tilespmem:s18+$0x14910] =	vst v2  }
0x276: {  	v59 =	vmul.f32 v57, v50;
	v60 =	vadd.f32 v3, v14;
	[tilespmem:s18+$0x14920] =	vst v58  }
0x277: {  	v61 =	vmul.f32 v4, v48;
	[tilespmem:s18+$0x14930] =	vst v0;
	v62 =	vadd.f32 v5, v49  }
.Ltmp4:
0x278: {  	v2 =	vadd.f32 v59, v51;
	[tilespmem:s18+$0x14940] =	vst v60;
	(pc) =	sbr.rel @p0 .LBB2_8-.Ltmp4, $4  }
0x279: {  	v63 =	vadd.f32 v61, v52;
	[tilespmem:s18+$0x14950] =	vst v62  }
0x27a: {  	[tilespmem:s18+$0x14960] =	vst v2  }
0x27b: {  	s3 =	sadd.s32 $0x800, s3;
	[tilespmem:s18+$0x14970] =	vst v63  }
0x27c: {  	[hbm4b:s3+s6] =	stream.linear.scatter [tilespmem:s29], [sflag:$0x6], $0x4000, $0x38;
	[tilespmem:$0x1A900] =	vst v63  }
.Ltmp5:
0x27d: {  	s2 =	sshrl.u32 s2, $0x2;
	(pc) =	sbr.rel .LBB2_2-.Ltmp5, $4  }
0x27e: {  	s3 =	sadd.s32 $0x180, s2  }
0x27f: {  	v18 =	vmov v7;
	[tilespmem:s16], [sflag:$0x2] =	stream.indirect.gather [hbm4b:s1+s14], $0x80, s3, s14, $0xb8;
	[tilespmem:$0x1A900] =	vst v63  }
0x280: {  	v23 =	vmovc v11;
	v11 =	vmovc v13;
	v1 =	vmov v55;
	v6 =	vmov v49;
	v7 =	vmov v51;
	s4 =	sadd.s32 $0x1, s4;
	s2 =	sadd.s32 $0x580, s2  }
0x281: {  	v0 =	vmovc v48;
	v10 =	vmovc v52;
	v12 =	vmov v9;
	v5 =	vmov v18;
	v15 =	vmov v23;
	[tilespmem:s20], [sflag:$0x4] =	stream.indirect.gather [spmem:s5], $0x80, s2, s14, $0xb8;
	[tilespmem:$0x1A900] =	vst v63  }
.LBB2_9:
0x282: {  	_ =	sfence.sel $0x180000  }
0x283: {  	[bflag:$0x0] =	sbarrier.arrive $0xFFFF  }
0x284: {  	_ =	strace $0x90000047  }
0x285: {  	s0 =	stileid.u32;
	[bflag:$0x2] =	sbarrier.arrive $0xFFFF  }
0x286: {  	p0 =	sne.s32 s0, $0x0;
	s0 =	rddreg [dreg:$0x6]  }
0x287: {  	s0 =	sadd.s32 @!p0 $0x100000, s0  }
0x288: {  	[sflag:s0] =	ssyncadd.tile.s32 @!p0 $0x1;
	_ =	shalt  }
.Lfunc_end2:
_tile_overlayer_lowered:
.L_overlay_start_2:
0x289: {  	(tag) =	ssettag $0x2  }
0x28a: {  	s0 =	rddreg [dreg:$0x0];
	s2 =	stileid.u32  }
0x28b: {  	s1 =	rddreg [dreg:$0x1];
	p0 =	sne.s32 s2, $0x0  }
0x28c: {  	s3 =	rddreg [dreg:$0x2];
	[bflag:$0x3] =	sbarrier.arrive $0xFFFF;
	s2 =	simm.s32 @!p0 $0x1C07  }
0x28d: {  	[timem:s3], [sflag:s2] =	dma.local @!p0 [hbm:s0], s1  }
0x28e: {  	s0 =	simm.s32 @!p0 $0x7  }
0x28f: {  	_ =	swait.ge @!p0 [sflag:s0], s1  }
0x290: {  	s1 =	ssub.s32 @!p0 $0x0, s1;
	[sflag:s0] =	ssyncset.done @!p0 $0x0  }
0x291: {  	[sflag:s0] =	ssyncadd.s32 @!p0 s1  }
0x292: {  	[bflag:$0x3] =	sbarrier.arrive $0xFFFF  }
0x293: {  	_ =	shalt  }

</sc_bundles>
